<compile_context>
chip_gen: v7x
topology: tpu7x:2x2x1
jax: 0.10.2.dev20260603
libtpu: 0.0.44.dev20260713+nightly
codegen_flags: <defaults>
</compile_context>

<pallas_src>
import functools

import jax
import jax.numpy as jnp
import numpy as np
from jax import lax
from jax.experimental import pallas as pl
from jax.experimental.pallas import tpu as pltpu
from jax.experimental.pallas import tpu_sc as plsc

_B = 16384
_R = 128
_C = 128

_NC = 2
_NS = 16
_NW = _NC * _NS
_PER_W = _B // _NW
_NCHUNK = _PER_W // 16

_KS1 = 42
_KS2 = (42 ^ 0x1BD11BDA) & 0xFFFFFFFF

_ROT_A = (13, 15, 26, 6)
_ROT_B = (17, 29, 16, 24)


def _u32(v):
    return np.uint32(v & 0xFFFFFFFF)


def _rotl(v, r):
    return lax.shift_left(v, np.uint32(r)) | lax.shift_right_logical(
        v, np.uint32(32 - r))


def _round(x0, x1, r):
    x0 = x0 + x1
    x1 = x0 ^ _rotl(x1, r)
    return x0, x1


def _bits_from_x1(x1):
    x0 = x1
    x1 = x0 ^ _rotl(x1, _ROT_A[0])
    for r in _ROT_A[1:]:
        x0, x1 = _round(x0, x1, r)
    x0 = x0 + _u32(_KS1)
    x1 = x1 + _u32(_KS2 + 1)
    for r in _ROT_B:
        x0, x1 = _round(x0, x1, r)
    x0 = x0 + _u32(_KS2)
    x1 = x1 + _u32(2)
    for r in _ROT_A:
        x0, x1 = _round(x0, x1, r)
    x1 = x1 + _u32(_KS1 + 3)
    for r in _ROT_B:
        x0, x1 = _round(x0, x1, r)
    x0 = x0 + _u32(_KS1)
    x1 = x1 + _u32(_KS2 + 4)
    for r in _ROT_A:
        x0, x1 = _round(x0, x1, r)
    x0 = x0 + _u32(_KS2)
    x1 = x1 + _u32(5)
    return x0 ^ x1


_MESH = plsc.VectorSubcoreMesh(core_axis_name="c", subcore_axis_name="s")


@functools.partial(
    pl.kernel,
    out_type=(
        jax.ShapeDtypeStruct((_B,), jnp.uint32),
        jax.ShapeDtypeStruct((_B,), jnp.uint32),
    ),
    mesh=_MESH,
    scratch_types=(
        pltpu.VMEM((_PER_W,), jnp.uint32),
        pltpu.VMEM((_PER_W,), jnp.uint32),
    ),
)
def _sc_bits(b0_hbm, b1_hbm, v0, v1):
    wid = lax.axis_index("s") * _NC + lax.axis_index("c")
    base = wid * _PER_W

    def body(i, carry):
        lane = lax.iota(jnp.uint32, 16)
        row = base.astype(jnp.uint32) + (i * 16).astype(jnp.uint32) + lane
        f42 = row * np.uint32(2) + np.uint32(42)
        v0[pl.ds(i * 16, 16)] = _bits_from_x1(f42)
        v1[pl.ds(i * 16, 16)] = _bits_from_x1(f42 + np.uint32(1))
        return carry

    lax.fori_loop(0, _NCHUNK, body, 0)
    pltpu.sync_copy(v0, b0_hbm.at[pl.ds(base, _PER_W)])
    pltpu.sync_copy(v1, b1_hbm.at[pl.ds(base, _PER_W)])


def _gumbel_from_bits(bits):
    float_bits = lax.shift_right_logical(bits, np.uint32(9)) | np.uint32(
        0x3F800000)
    floats = lax.bitcast_convert_type(float_bits, jnp.float32) - jnp.float32(1.0)
    tiny = jnp.float32(np.finfo(np.float32).tiny)
    u = lax.max(tiny, floats * (jnp.float32(1.0) - tiny) + tiny)
    return -jnp.log(-jnp.log(u))


def _tc_body(x_ref, b0_ref, b1_ref, act_ref, ent_ref, lpa_ref):
    x = x_ref[...]
    g0 = _gumbel_from_bits(b0_ref[...])
    g1 = _gumbel_from_bits(b1_ref[...])
    s = jax.nn.sigmoid(x)
    comp = jnp.float32(1.0) - s
    lp0 = jnp.log(comp)
    lp1 = jnp.log(s)
    ent_ref[...] = -(lp0 * comp + lp1 * s)
    take1 = (g1 + lp1) > (g0 + lp0)
    act_ref[...] = take1.astype(jnp.int32)
    lpa_ref[...] = jnp.where(take1, lp1, lp0)


def kernel(x):
    b0, b1 = _sc_bits()
    x2 = x.reshape(_R, _C)
    act, ent, lpa = pl.pallas_call(
        _tc_body,
        out_shape=(
            jax.ShapeDtypeStruct((_R, _C), jnp.int32),
            jax.ShapeDtypeStruct((_R, _C), jnp.float32),
            jax.ShapeDtypeStruct((_R, _C), jnp.float32),
        ),
    )(x2, b0.reshape(_R, _C), b1.reshape(_R, _C))
    return (act.reshape(_B, 1), ent.reshape(_B, 1), lpa.reshape(_B, 1))

# --- scband reference (transcript-rebuilt; emitter-appended) ---
"""Pipeline reference for scband-policy-net-fm-87883620811007 (READ-ONLY COPY).

The authoritative reference and input builder live on the scoring server;
editing this copy changes nothing except your own understanding.
"""

import jax, jax.numpy as jnp
import numpy as np


def setup_inputs(seed: int = 0) -> dict:
    key = jax.random.key(seed)
    x = jax.random.normal(key, (16384, 1), dtype=jnp.float32)
    return {"x": x}


def reference(x):
    # PredictionLayer('binary') -> sigmoid
    prob1 = jax.nn.sigmoid(x)                                  # [B, 1]
    complement = 1.0 - prob1
    prob = jnp.concatenate([complement, prob1], axis=1)        # [B, 2]
    log_prob = jnp.log(prob)                                   # [B, 2]
    entropy = -(log_prob * prob).sum(-1, keepdims=True)        # [B, 1]
    # prob.multinomial(1): categorical sample per row
    skey = jax.random.key(42)
    action = jax.random.categorical(skey, log_prob, axis=-1)[:, None]  # [B, 1] int
    # log_prob.gather(1, action)
    log_prob_a = jnp.take_along_axis(log_prob, action, axis=1)  # [B, 1]
    # action.squeeze(0) is a no-op for B > 1
    action_env = action
    return (action_env, entropy, log_prob_a)

if __name__ == "__main__":
    import jax
    _d = setup_inputs()
    print(jax.jit(kernel)(*tuple(_d.values())))

</pallas_src>

<mosaic_0001>
#map = affine_map<(d0, d1) -> (0)>
module attributes {stable_mosaic.version = 14 : i64} {
  func.func @_sc_bits(%arg0: i32, %arg1: i32, %arg2: memref<16384xi32, #tpu.memory_space<hbm>>, %arg3: memref<16384xi32, #tpu.memory_space<hbm>>, %arg4: memref<512xi32, #tpu.memory_space<vmem>>, %arg5: memref<512xi32, #tpu.memory_space<vmem>>) attributes {dimension_semantics = [#tpu.dimension_semantics<core_parallel>, #tpu.dimension_semantics<subcore_parallel>], iteration_bounds = array<i64: 2, 16>, scalar_prefetch = 0 : i64, scratch_operands = 2 : i64, tpu.core_type = #tpu.core_type<sc_vector_subcore>, window_params = [{transform_indices = #map}, {transform_indices = #map}]} {
    %mul3A = arith.constant 2 : i32
    %mul3A_0 = arith.muli %arg1, %mul3A : i32
    %add3A = arith.addi %mul3A_0, %arg0 : i32
    %mul3A_1 = arith.constant 512 : i32
    %mul3A_2 = arith.muli %add3A, %mul3A_1 : i32
    %scan3A = arith.constant 0 : i32
    %scan3A_3 = arith.constant 0 : i32
    %scan3A_4 = arith.constant 32 : i32
    %scan3A_5 = arith.addi %scan3A_3, %scan3A_4 : i32
    %scan3A_6 = arith.constant 1 : i32
    scf.for %scan3A_8 = %scan3A_3 to %scan3A_5 step %scan3A_6  : i32 {
      %iota3A = tpu.iota {dimensions = array<i32: 0>} : vector<16xi32>
      %mul3A_9 = arith.constant 16 : i32
      %mul3A_10 = arith.muli %scan3A_8, %mul3A_9 : i32
      %add3A_11 = arith.addi %mul3A_2, %mul3A_10 : i32
      %add3A_12 = vector.broadcast %add3A_11 : i32 to vector<16xi32>
      %add3A_13 = arith.addi %add3A_12, %iota3A : vector<16xi32>
      %mul3A_14 = arith.constant 2 : i32
      %mul3A_15 = vector.broadcast %mul3A_14 : i32 to vector<16xi32>
      %mul3A_16 = arith.muli %add3A_13, %mul3A_15 : vector<16xi32>
      %add3A_17 = arith.constant 42 : i32
      %add3A_18 = vector.broadcast %add3A_17 : i32 to vector<16xi32>
      %add3A_19 = arith.addi %mul3A_16, %add3A_18 : vector<16xi32>
      %shift_left3A = arith.constant 13 : i32
      %shift_left3A_20 = vector.broadcast %shift_left3A : i32 to vector<16xi32>
      %shift_left3A_21 = arith.shli %add3A_19, %shift_left3A_20 : vector<16xi32>
      %shift_right_logical3A = arith.constant 19 : i32
      %shift_right_logical3A_22 = vector.broadcast %shift_right_logical3A : i32 to vector<16xi32>
      %shift_right_logical3A_23 = arith.shrui %add3A_19, %shift_right_logical3A_22 : vector<16xi32>
      %or3A = arith.ori %shift_left3A_21, %shift_right_logical3A_23 : vector<16xi32>
      %xor3A = arith.xori %add3A_19, %or3A : vector<16xi32>
      %add3A_24 = arith.addi %add3A_19, %xor3A : vector<16xi32>
      %shift_left3A_25 = arith.constant 15 : i32
      %shift_left3A_26 = vector.broadcast %shift_left3A_25 : i32 to vector<16xi32>
      %shift_left3A_27 = arith.shli %xor3A, %shift_left3A_26 : vector<16xi32>
      %shift_right_logical3A_28 = arith.constant 17 : i32
      %shift_right_logical3A_29 = vector.broadcast %shift_right_logical3A_28 : i32 to vector<16xi32>
      %shift_right_logical3A_30 = arith.shrui %xor3A, %shift_right_logical3A_29 : vector<16xi32>
      %or3A_31 = arith.ori %shift_left3A_27, %shift_right_logical3A_30 : vector<16xi32>
      %xor3A_32 = arith.xori %add3A_24, %or3A_31 : vector<16xi32>
      %add3A_33 = arith.addi %add3A_24, %xor3A_32 : vector<16xi32>
      %shift_left3A_34 = arith.constant 26 : i32
      %shift_left3A_35 = vector.broadcast %shift_left3A_34 : i32 to vector<16xi32>
      %shift_left3A_36 = arith.shli %xor3A_32, %shift_left3A_35 : vector<16xi32>
      %shift_right_logical3A_37 = arith.constant 6 : i32
      %shift_right_logical3A_38 = vector.broadcast %shift_right_logical3A_37 : i32 to vector<16xi32>
      %shift_right_logical3A_39 = arith.shrui %xor3A_32, %shift_right_logical3A_38 : vector<16xi32>
      %or3A_40 = arith.ori %shift_left3A_36, %shift_right_logical3A_39 : vector<16xi32>
      %xor3A_41 = arith.xori %add3A_33, %or3A_40 : vector<16xi32>
      %add3A_42 = arith.addi %add3A_33, %xor3A_41 : vector<16xi32>
      %shift_left3A_43 = arith.constant 6 : i32
      %shift_left3A_44 = vector.broadcast %shift_left3A_43 : i32 to vector<16xi32>
      %shift_left3A_45 = arith.shli %xor3A_41, %shift_left3A_44 : vector<16xi32>
      %shift_right_logical3A_46 = arith.constant 26 : i32
      %shift_right_logical3A_47 = vector.broadcast %shift_right_logical3A_46 : i32 to vector<16xi32>
      %shift_right_logical3A_48 = arith.shrui %xor3A_41, %shift_right_logical3A_47 : vector<16xi32>
      %or3A_49 = arith.ori %shift_left3A_45, %shift_right_logical3A_48 : vector<16xi32>
      %xor3A_50 = arith.xori %add3A_42, %or3A_49 : vector<16xi32>
      %add3A_51 = arith.constant 42 : i32
      %add3A_52 = vector.broadcast %add3A_51 : i32 to vector<16xi32>
      %add3A_53 = arith.addi %add3A_42, %add3A_52 : vector<16xi32>
      %add3A_54 = arith.constant 466689009 : i32
      %add3A_55 = vector.broadcast %add3A_54 : i32 to vector<16xi32>
      %add3A_56 = arith.addi %xor3A_50, %add3A_55 : vector<16xi32>
      %add3A_57 = arith.addi %add3A_53, %add3A_56 : vector<16xi32>
      %shift_left3A_58 = arith.constant 17 : i32
      %shift_left3A_59 = vector.broadcast %shift_left3A_58 : i32 to vector<16xi32>
      %shift_left3A_60 = arith.shli %add3A_56, %shift_left3A_59 : vector<16xi32>
      %shift_right_logical3A_61 = arith.constant 15 : i32
      %shift_right_logical3A_62 = vector.broadcast %shift_right_logical3A_61 : i32 to vector<16xi32>
      %shift_right_logical3A_63 = arith.shrui %add3A_56, %shift_right_logical3A_62 : vector<16xi32>
      %or3A_64 = arith.ori %shift_left3A_60, %shift_right_logical3A_63 : vector<16xi32>
      %xor3A_65 = arith.xori %add3A_57, %or3A_64 : vector<16xi32>
      %add3A_66 = arith.addi %add3A_57, %xor3A_65 : vector<16xi32>
      %shift_left3A_67 = arith.constant 29 : i32
      %shift_left3A_68 = vector.broadcast %shift_left3A_67 : i32 to vector<16xi32>
      %shift_left3A_69 = arith.shli %xor3A_65, %shift_left3A_68 : vector<16xi32>
      %shift_right_logical3A_70 = arith.constant 3 : i32
      %shift_right_logical3A_71 = vector.broadcast %shift_right_logical3A_70 : i32 to vector<16xi32>
      %shift_right_logical3A_72 = arith.shrui %xor3A_65, %shift_right_logical3A_71 : vector<16xi32>
      %or3A_73 = arith.ori %shift_left3A_69, %shift_right_logical3A_72 : vector<16xi32>
      %xor3A_74 = arith.xori %add3A_66, %or3A_73 : vector<16xi32>
      %add3A_75 = arith.addi %add3A_66, %xor3A_74 : vector<16xi32>
      %shift_left3A_76 = arith.constant 16 : i32
      %shift_left3A_77 = vector.broadcast %shift_left3A_76 : i32 to vector<16xi32>
      %shift_left3A_78 = arith.shli %xor3A_74, %shift_left3A_77 : vector<16xi32>
      %shift_right_logical3A_79 = arith.constant 16 : i32
      %shift_right_logical3A_80 = vector.broadcast %shift_right_logical3A_79 : i32 to vector<16xi32>
      %shift_right_logical3A_81 = arith.shrui %xor3A_74, %shift_right_logical3A_80 : vector<16xi32>
      %or3A_82 = arith.ori %shift_left3A_78, %shift_right_logical3A_81 : vector<16xi32>
      %xor3A_83 = arith.xori %add3A_75, %or3A_82 : vector<16xi32>
      %add3A_84 = arith.addi %add3A_75, %xor3A_83 : vector<16xi32>
      %shift_left3A_85 = arith.constant 24 : i32
      %shift_left3A_86 = vector.broadcast %shift_left3A_85 : i32 to vector<16xi32>
      %shift_left3A_87 = arith.shli %xor3A_83, %shift_left3A_86 : vector<16xi32>
      %shift_right_logical3A_88 = arith.constant 8 : i32
      %shift_right_logical3A_89 = vector.broadcast %shift_right_logical3A_88 : i32 to vector<16xi32>
      %shift_right_logical3A_90 = arith.shrui %xor3A_83, %shift_right_logical3A_89 : vector<16xi32>
      %or3A_91 = arith.ori %shift_left3A_87, %shift_right_logical3A_90 : vector<16xi32>
      %xor3A_92 = arith.xori %add3A_84, %or3A_91 : vector<16xi32>
      %add3A_93 = arith.constant 466689008 : i32
      %add3A_94 = vector.broadcast %add3A_93 : i32 to vector<16xi32>
      %add3A_95 = arith.addi %add3A_84, %add3A_94 : vector<16xi32>
      %add3A_96 = arith.constant 2 : i32
      %add3A_97 = vector.broadcast %add3A_96 : i32 to vector<16xi32>
      %add3A_98 = arith.addi %xor3A_92, %add3A_97 : vector<16xi32>
      %add3A_99 = arith.addi %add3A_95, %add3A_98 : vector<16xi32>
      %shift_left3A_100 = arith.constant 13 : i32
      %shift_left3A_101 = vector.broadcast %shift_left3A_100 : i32 to vector<16xi32>
      %shift_left3A_102 = arith.shli %add3A_98, %shift_left3A_101 : vector<16xi32>
      %shift_right_logical3A_103 = arith.constant 19 : i32
      %shift_right_logical3A_104 = vector.broadcast %shift_right_logical3A_103 : i32 to vector<16xi32>
      %shift_right_logical3A_105 = arith.shrui %add3A_98, %shift_right_logical3A_104 : vector<16xi32>
      %or3A_106 = arith.ori %shift_left3A_102, %shift_right_logical3A_105 : vector<16xi32>
      %xor3A_107 = arith.xori %add3A_99, %or3A_106 : vector<16xi32>
      %add3A_108 = arith.addi %add3A_99, %xor3A_107 : vector<16xi32>
      %shift_left3A_109 = arith.constant 15 : i32
      %shift_left3A_110 = vector.broadcast %shift_left3A_109 : i32 to vector<16xi32>
      %shift_left3A_111 = arith.shli %xor3A_107, %shift_left3A_110 : vector<16xi32>
      %shift_right_logical3A_112 = arith.constant 17 : i32
      %shift_right_logical3A_113 = vector.broadcast %shift_right_logical3A_112 : i32 to vector<16xi32>
      %shift_right_logical3A_114 = arith.shrui %xor3A_107, %shift_right_logical3A_113 : vector<16xi32>
      %or3A_115 = arith.ori %shift_left3A_111, %shift_right_logical3A_114 : vector<16xi32>
      %xor3A_116 = arith.xori %add3A_108, %or3A_115 : vector<16xi32>
      %add3A_117 = arith.addi %add3A_108, %xor3A_116 : vector<16xi32>
      %shift_left3A_118 = arith.constant 26 : i32
      %shift_left3A_119 = vector.broadcast %shift_left3A_118 : i32 to vector<16xi32>
      %shift_left3A_120 = arith.shli %xor3A_116, %shift_left3A_119 : vector<16xi32>
      %shift_right_logical3A_121 = arith.constant 6 : i32
      %shift_right_logical3A_122 = vector.broadcast %shift_right_logical3A_121 : i32 to vector<16xi32>
      %shift_right_logical3A_123 = arith.shrui %xor3A_116, %shift_right_logical3A_122 : vector<16xi32>
      %or3A_124 = arith.ori %shift_left3A_120, %shift_right_logical3A_123 : vector<16xi32>
      %xor3A_125 = arith.xori %add3A_117, %or3A_124 : vector<16xi32>
      %add3A_126 = arith.addi %add3A_117, %xor3A_125 : vector<16xi32>
      %shift_left3A_127 = arith.constant 6 : i32
      %shift_left3A_128 = vector.broadcast %shift_left3A_127 : i32 to vector<16xi32>
      %shift_left3A_129 = arith.shli %xor3A_125, %shift_left3A_128 : vector<16xi32>
      %shift_right_logical3A_130 = arith.constant 26 : i32
      %shift_right_logical3A_131 = vector.broadcast %shift_right_logical3A_130 : i32 to vector<16xi32>
      %shift_right_logical3A_132 = arith.shrui %xor3A_125, %shift_right_logical3A_131 : vector<16xi32>
      %or3A_133 = arith.ori %shift_left3A_129, %shift_right_logical3A_132 : vector<16xi32>
      %xor3A_134 = arith.xori %add3A_126, %or3A_133 : vector<16xi32>
      %add3A_135 = arith.constant 45 : i32
      %add3A_136 = vector.broadcast %add3A_135 : i32 to vector<16xi32>
      %add3A_137 = arith.addi %xor3A_134, %add3A_136 : vector<16xi32>
      %add3A_138 = arith.addi %add3A_126, %add3A_137 : vector<16xi32>
      %shift_left3A_139 = arith.constant 17 : i32
      %shift_left3A_140 = vector.broadcast %shift_left3A_139 : i32 to vector<16xi32>
      %shift_left3A_141 = arith.shli %add3A_137, %shift_left3A_140 : vector<16xi32>
      %shift_right_logical3A_142 = arith.constant 15 : i32
      %shift_right_logical3A_143 = vector.broadcast %shift_right_logical3A_142 : i32 to vector<16xi32>
      %shift_right_logical3A_144 = arith.shrui %add3A_137, %shift_right_logical3A_143 : vector<16xi32>
      %or3A_145 = arith.ori %shift_left3A_141, %shift_right_logical3A_144 : vector<16xi32>
      %xor3A_146 = arith.xori %add3A_138, %or3A_145 : vector<16xi32>
      %add3A_147 = arith.addi %add3A_138, %xor3A_146 : vector<16xi32>
      %shift_left3A_148 = arith.constant 29 : i32
      %shift_left3A_149 = vector.broadcast %shift_left3A_148 : i32 to vector<16xi32>
      %shift_left3A_150 = arith.shli %xor3A_146, %shift_left3A_149 : vector<16xi32>
      %shift_right_logical3A_151 = arith.constant 3 : i32
      %shift_right_logical3A_152 = vector.broadcast %shift_right_logical3A_151 : i32 to vector<16xi32>
      %shift_right_logical3A_153 = arith.shrui %xor3A_146, %shift_right_logical3A_152 : vector<16xi32>
      %or3A_154 = arith.ori %shift_left3A_150, %shift_right_logical3A_153 : vector<16xi32>
      %xor3A_155 = arith.xori %add3A_147, %or3A_154 : vector<16xi32>
      %add3A_156 = arith.addi %add3A_147, %xor3A_155 : vector<16xi32>
      %shift_left3A_157 = arith.constant 16 : i32
      %shift_left3A_158 = vector.broadcast %shift_left3A_157 : i32 to vector<16xi32>
      %shift_left3A_159 = arith.shli %xor3A_155, %shift_left3A_158 : vector<16xi32>
      %shift_right_logical3A_160 = arith.constant 16 : i32
      %shift_right_logical3A_161 = vector.broadcast %shift_right_logical3A_160 : i32 to vector<16xi32>
      %shift_right_logical3A_162 = arith.shrui %xor3A_155, %shift_right_logical3A_161 : vector<16xi32>
      %or3A_163 = arith.ori %shift_left3A_159, %shift_right_logical3A_162 : vector<16xi32>
      %xor3A_164 = arith.xori %add3A_156, %or3A_163 : vector<16xi32>
      %add3A_165 = arith.addi %add3A_156, %xor3A_164 : vector<16xi32>
      %shift_left3A_166 = arith.constant 24 : i32
      %shift_left3A_167 = vector.broadcast %shift_left3A_166 : i32 to vector<16xi32>
      %shift_left3A_168 = arith.shli %xor3A_164, %shift_left3A_167 : vector<16xi32>
      %shift_right_logical3A_169 = arith.constant 8 : i32
      %shift_right_logical3A_170 = vector.broadcast %shift_right_logical3A_169 : i32 to vector<16xi32>
      %shift_right_logical3A_171 = arith.shrui %xor3A_164, %shift_right_logical3A_170 : vector<16xi32>
      %or3A_172 = arith.ori %shift_left3A_168, %shift_right_logical3A_171 : vector<16xi32>
      %xor3A_173 = arith.xori %add3A_165, %or3A_172 : vector<16xi32>
      %add3A_174 = arith.constant 42 : i32
      %add3A_175 = vector.broadcast %add3A_174 : i32 to vector<16xi32>
      %add3A_176 = arith.addi %add3A_165, %add3A_175 : vector<16xi32>
      %add3A_177 = arith.constant 466689012 : i32
      %add3A_178 = vector.broadcast %add3A_177 : i32 to vector<16xi32>
      %add3A_179 = arith.addi %xor3A_173, %add3A_178 : vector<16xi32>
      %add3A_180 = arith.addi %add3A_176, %add3A_179 : vector<16xi32>
      %shift_left3A_181 = arith.constant 13 : i32
      %shift_left3A_182 = vector.broadcast %shift_left3A_181 : i32 to vector<16xi32>
      %shift_left3A_183 = arith.shli %add3A_179, %shift_left3A_182 : vector<16xi32>
      %shift_right_logical3A_184 = arith.constant 19 : i32
      %shift_right_logical3A_185 = vector.broadcast %shift_right_logical3A_184 : i32 to vector<16xi32>
      %shift_right_logical3A_186 = arith.shrui %add3A_179, %shift_right_logical3A_185 : vector<16xi32>
      %or3A_187 = arith.ori %shift_left3A_183, %shift_right_logical3A_186 : vector<16xi32>
      %xor3A_188 = arith.xori %add3A_180, %or3A_187 : vector<16xi32>
      %add3A_189 = arith.addi %add3A_180, %xor3A_188 : vector<16xi32>
      %shift_left3A_190 = arith.constant 15 : i32
      %shift_left3A_191 = vector.broadcast %shift_left3A_190 : i32 to vector<16xi32>
      %shift_left3A_192 = arith.shli %xor3A_188, %shift_left3A_191 : vector<16xi32>
      %shift_right_logical3A_193 = arith.constant 17 : i32
      %shift_right_logical3A_194 = vector.broadcast %shift_right_logical3A_193 : i32 to vector<16xi32>
      %shift_right_logical3A_195 = arith.shrui %xor3A_188, %shift_right_logical3A_194 : vector<16xi32>
      %or3A_196 = arith.ori %shift_left3A_192, %shift_right_logical3A_195 : vector<16xi32>
      %xor3A_197 = arith.xori %add3A_189, %or3A_196 : vector<16xi32>
      %add3A_198 = arith.addi %add3A_189, %xor3A_197 : vector<16xi32>
      %shift_left3A_199 = arith.constant 26 : i32
      %shift_left3A_200 = vector.broadcast %shift_left3A_199 : i32 to vector<16xi32>
      %shift_left3A_201 = arith.shli %xor3A_197, %shift_left3A_200 : vector<16xi32>
      %shift_right_logical3A_202 = arith.constant 6 : i32
      %shift_right_logical3A_203 = vector.broadcast %shift_right_logical3A_202 : i32 to vector<16xi32>
      %shift_right_logical3A_204 = arith.shrui %xor3A_197, %shift_right_logical3A_203 : vector<16xi32>
      %or3A_205 = arith.ori %shift_left3A_201, %shift_right_logical3A_204 : vector<16xi32>
      %xor3A_206 = arith.xori %add3A_198, %or3A_205 : vector<16xi32>
      %add3A_207 = arith.addi %add3A_198, %xor3A_206 : vector<16xi32>
      %shift_left3A_208 = arith.constant 6 : i32
      %shift_left3A_209 = vector.broadcast %shift_left3A_208 : i32 to vector<16xi32>
      %shift_left3A_210 = arith.shli %xor3A_206, %shift_left3A_209 : vector<16xi32>
      %shift_right_logical3A_211 = arith.constant 26 : i32
      %shift_right_logical3A_212 = vector.broadcast %shift_right_logical3A_211 : i32 to vector<16xi32>
      %shift_right_logical3A_213 = arith.shrui %xor3A_206, %shift_right_logical3A_212 : vector<16xi32>
      %or3A_214 = arith.ori %shift_left3A_210, %shift_right_logical3A_213 : vector<16xi32>
      %xor3A_215 = arith.xori %add3A_207, %or3A_214 : vector<16xi32>
      %add3A_216 = arith.constant 466689008 : i32
      %add3A_217 = vector.broadcast %add3A_216 : i32 to vector<16xi32>
      %add3A_218 = arith.addi %add3A_207, %add3A_217 : vector<16xi32>
      %add3A_219 = arith.constant 5 : i32
      %add3A_220 = vector.broadcast %add3A_219 : i32 to vector<16xi32>
      %add3A_221 = arith.addi %xor3A_215, %add3A_220 : vector<16xi32>
      %xor3A_222 = arith.xori %add3A_218, %add3A_221 : vector<16xi32>
      %mul3A_223 = arith.constant 16 : i32
      %mul3A_224 = arith.muli %scan3A_8, %mul3A_223 : i32
      %swap3A = arith.index_cast %mul3A_224 : i32 to index
      %swap3A_225 = tpu.vector_load %arg4[%swap3A] {strides = array<i32>} : memref<512xi32, #tpu.memory_space<vmem>>, vector<16xi32>,
      %swap3A_226 = vector.shape_cast %swap3A_225 : vector<16xi32> to vector<16xi32>
      %swap3A_227 = vector.shape_cast %xor3A_222 : vector<16xi32> to vector<16xi32>
      tpu.vector_store %arg4[%swap3A], %swap3A_227 {strides = array<i32>} : memref<512xi32, #tpu.memory_space<vmem>>, vector<16xi32>,
      %add3A_228 = arith.constant 1 : i32
      %add3A_229 = vector.broadcast %add3A_228 : i32 to vector<16xi32>
      %add3A_230 = arith.addi %add3A_19, %add3A_229 : vector<16xi32>
      %shift_left3A_231 = arith.constant 13 : i32
      %shift_left3A_232 = vector.broadcast %shift_left3A_231 : i32 to vector<16xi32>
      %shift_left3A_233 = arith.shli %add3A_230, %shift_left3A_232 : vector<16xi32>
      %shift_right_logical3A_234 = arith.constant 19 : i32
      %shift_right_logical3A_235 = vector.broadcast %shift_right_logical3A_234 : i32 to vector<16xi32>
      %shift_right_logical3A_236 = arith.shrui %add3A_230, %shift_right_logical3A_235 : vector<16xi32>
      %or3A_237 = arith.ori %shift_left3A_233, %shift_right_logical3A_236 : vector<16xi32>
      %xor3A_238 = arith.xori %add3A_230, %or3A_237 : vector<16xi32>
      %add3A_239 = arith.addi %add3A_230, %xor3A_238 : vector<16xi32>
      %shift_left3A_240 = arith.constant 15 : i32
      %shift_left3A_241 = vector.broadcast %shift_left3A_240 : i32 to vector<16xi32>
      %shift_left3A_242 = arith.shli %xor3A_238, %shift_left3A_241 : vector<16xi32>
      %shift_right_logical3A_243 = arith.constant 17 : i32
      %shift_right_logical3A_244 = vector.broadcast %shift_right_logical3A_243 : i32 to vector<16xi32>
      %shift_right_logical3A_245 = arith.shrui %xor3A_238, %shift_right_logical3A_244 : vector<16xi32>
      %or3A_246 = arith.ori %shift_left3A_242, %shift_right_logical3A_245 : vector<16xi32>
      %xor3A_247 = arith.xori %add3A_239, %or3A_246 : vector<16xi32>
      %add3A_248 = arith.addi %add3A_239, %xor3A_247 : vector<16xi32>
      %shift_left3A_249 = arith.constant 26 : i32
      %shift_left3A_250 = vector.broadcast %shift_left3A_249 : i32 to vector<16xi32>
      %shift_left3A_251 = arith.shli %xor3A_247, %shift_left3A_250 : vector<16xi32>
      %shift_right_logical3A_252 = arith.constant 6 : i32
      %shift_right_logical3A_253 = vector.broadcast %shift_right_logical3A_252 : i32 to vector<16xi32>
      %shift_right_logical3A_254 = arith.shrui %xor3A_247, %shift_right_logical3A_253 : vector<16xi32>
      %or3A_255 = arith.ori %shift_left3A_251, %shift_right_logical3A_254 : vector<16xi32>
      %xor3A_256 = arith.xori %add3A_248, %or3A_255 : vector<16xi32>
      %add3A_257 = arith.addi %add3A_248, %xor3A_256 : vector<16xi32>
      %shift_left3A_258 = arith.constant 6 : i32
      %shift_left3A_259 = vector.broadcast %shift_left3A_258 : i32 to vector<16xi32>
      %shift_left3A_260 = arith.shli %xor3A_256, %shift_left3A_259 : vector<16xi32>
      %shift_right_logical3A_261 = arith.constant 26 : i32
      %shift_right_logical3A_262 = vector.broadcast %shift_right_logical3A_261 : i32 to vector<16xi32>
      %shift_right_logical3A_263 = arith.shrui %xor3A_256, %shift_right_logical3A_262 : vector<16xi32>
      %or3A_264 = arith.ori %shift_left3A_260, %shift_right_logical3A_263 : vector<16xi32>
      %xor3A_265 = arith.xori %add3A_257, %or3A_264 : vector<16xi32>
      %add3A_266 = arith.constant 42 : i32
      %add3A_267 = vector.broadcast %add3A_266 : i32 to vector<16xi32>
      %add3A_268 = arith.addi %add3A_257, %add3A_267 : vector<16xi32>
      %add3A_269 = arith.constant 466689009 : i32
      %add3A_270 = vector.broadcast %add3A_269 : i32 to vector<16xi32>
      %add3A_271 = arith.addi %xor3A_265, %add3A_270 : vector<16xi32>
      %add3A_272 = arith.addi %add3A_268, %add3A_271 : vector<16xi32>
      %shift_left3A_273 = arith.constant 17 : i32
      %shift_left3A_274 = vector.broadcast %shift_left3A_273 : i32 to vector<16xi32>
      %shift_left3A_275 = arith.shli %add3A_271, %shift_left3A_274 : vector<16xi32>
      %shift_right_logical3A_276 = arith.constant 15 : i32
      %shift_right_logical3A_277 = vector.broadcast %shift_right_logical3A_276 : i32 to vector<16xi32>
      %shift_right_logical3A_278 = arith.shrui %add3A_271, %shift_right_logical3A_277 : vector<16xi32>
      %or3A_279 = arith.ori %shift_left3A_275, %shift_right_logical3A_278 : vector<16xi32>
      %xor3A_280 = arith.xori %add3A_272, %or3A_279 : vector<16xi32>
      %add3A_281 = arith.addi %add3A_272, %xor3A_280 : vector<16xi32>
      %shift_left3A_282 = arith.constant 29 : i32
      %shift_left3A_283 = vector.broadcast %shift_left3A_282 : i32 to vector<16xi32>
      %shift_left3A_284 = arith.shli %xor3A_280, %shift_left3A_283 : vector<16xi32>
      %shift_right_logical3A_285 = arith.constant 3 : i32
      %shift_right_logical3A_286 = vector.broadcast %shift_right_logical3A_285 : i32 to vector<16xi32>
      %shift_right_logical3A_287 = arith.shrui %xor3A_280, %shift_right_logical3A_286 : vector<16xi32>
      %or3A_288 = arith.ori %shift_left3A_284, %shift_right_logical3A_287 : vector<16xi32>
      %xor3A_289 = arith.xori %add3A_281, %or3A_288 : vector<16xi32>
      %add3A_290 = arith.addi %add3A_281, %xor3A_289 : vector<16xi32>
      %shift_left3A_291 = arith.constant 16 : i32
      %shift_left3A_292 = vector.broadcast %shift_left3A_291 : i32 to vector<16xi32>
      %shift_left3A_293 = arith.shli %xor3A_289, %shift_left3A_292 : vector<16xi32>
      %shift_right_logical3A_294 = arith.constant 16 : i32
      %shift_right_logical3A_295 = vector.broadcast %shift_right_logical3A_294 : i32 to vector<16xi32>
      %shift_right_logical3A_296 = arith.shrui %xor3A_289, %shift_right_logical3A_295 : vector<16xi32>
      %or3A_297 = arith.ori %shift_left3A_293, %shift_right_logical3A_296 : vector<16xi32>
      %xor3A_298 = arith.xori %add3A_290, %or3A_297 : vector<16xi32>
      %add3A_299 = arith.addi %add3A_290, %xor3A_298 : vector<16xi32>
      %shift_left3A_300 = arith.constant 24 : i32
      %shift_left3A_301 = vector.broadcast %shift_left3A_300 : i32 to vector<16xi32>
      %shift_left3A_302 = arith.shli %xor3A_298, %shift_left3A_301 : vector<16xi32>
      %shift_right_logical3A_303 = arith.constant 8 : i32
      %shift_right_logical3A_304 = vector.broadcast %shift_right_logical3A_303 : i32 to vector<16xi32>
      %shift_right_logical3A_305 = arith.shrui %xor3A_298, %shift_right_logical3A_304 : vector<16xi32>
      %or3A_306 = arith.ori %shift_left3A_302, %shift_right_logical3A_305 : vector<16xi32>
      %xor3A_307 = arith.xori %add3A_299, %or3A_306 : vector<16xi32>
      %add3A_308 = arith.constant 466689008 : i32
      %add3A_309 = vector.broadcast %add3A_308 : i32 to vector<16xi32>
      %add3A_310 = arith.addi %add3A_299, %add3A_309 : vector<16xi32>
      %add3A_311 = arith.constant 2 : i32
      %add3A_312 = vector.broadcast %add3A_311 : i32 to vector<16xi32>
      %add3A_313 = arith.addi %xor3A_307, %add3A_312 : vector<16xi32>
      %add3A_314 = arith.addi %add3A_310, %add3A_313 : vector<16xi32>
      %shift_left3A_315 = arith.constant 13 : i32
      %shift_left3A_316 = vector.broadcast %shift_left3A_315 : i32 to vector<16xi32>
      %shift_left3A_317 = arith.shli %add3A_313, %shift_left3A_316 : vector<16xi32>
      %shift_right_logical3A_318 = arith.constant 19 : i32
      %shift_right_logical3A_319 = vector.broadcast %shift_right_logical3A_318 : i32 to vector<16xi32>
      %shift_right_logical3A_320 = arith.shrui %add3A_313, %shift_right_logical3A_319 : vector<16xi32>
      %or3A_321 = arith.ori %shift_left3A_317, %shift_right_logical3A_320 : vector<16xi32>
      %xor3A_322 = arith.xori %add3A_314, %or3A_321 : vector<16xi32>
      %add3A_323 = arith.addi %add3A_314, %xor3A_322 : vector<16xi32>
      %shift_left3A_324 = arith.constant 15 : i32
      %shift_left3A_325 = vector.broadcast %shift_left3A_324 : i32 to vector<16xi32>
      %shift_left3A_326 = arith.shli %xor3A_322, %shift_left3A_325 : vector<16xi32>
      %shift_right_logical3A_327 = arith.constant 17 : i32
      %shift_right_logical3A_328 = vector.broadcast %shift_right_logical3A_327 : i32 to vector<16xi32>
      %shift_right_logical3A_329 = arith.shrui %xor3A_322, %shift_right_logical3A_328 : vector<16xi32>
      %or3A_330 = arith.ori %shift_left3A_326, %shift_right_logical3A_329 : vector<16xi32>
      %xor3A_331 = arith.xori %add3A_323, %or3A_330 : vector<16xi32>
      %add3A_332 = arith.addi %add3A_323, %xor3A_331 : vector<16xi32>
      %shift_left3A_333 = arith.constant 26 : i32
      %shift_left3A_334 = vector.broadcast %shift_left3A_333 : i32 to vector<16xi32>
      %shift_left3A_335 = arith.shli %xor3A_331, %shift_left3A_334 : vector<16xi32>
      %shift_right_logical3A_336 = arith.constant 6 : i32
      %shift_right_logical3A_337 = vector.broadcast %shift_right_logical3A_336 : i32 to vector<16xi32>
      %shift_right_logical3A_338 = arith.shrui %xor3A_331, %shift_right_logical3A_337 : vector<16xi32>
      %or3A_339 = arith.ori %shift_left3A_335, %shift_right_logical3A_338 : vector<16xi32>
      %xor3A_340 = arith.xori %add3A_332, %or3A_339 : vector<16xi32>
      %add3A_341 = arith.addi %add3A_332, %xor3A_340 : vector<16xi32>
      %shift_left3A_342 = arith.constant 6 : i32
      %shift_left3A_343 = vector.broadcast %shift_left3A_342 : i32 to vector<16xi32>
      %shift_left3A_344 = arith.shli %xor3A_340, %shift_left3A_343 : vector<16xi32>
      %shift_right_logical3A_345 = arith.constant 26 : i32
      %shift_right_logical3A_346 = vector.broadcast %shift_right_logical3A_345 : i32 to vector<16xi32>
      %shift_right_logical3A_347 = arith.shrui %xor3A_340, %shift_right_logical3A_346 : vector<16xi32>
      %or3A_348 = arith.ori %shift_left3A_344, %shift_right_logical3A_347 : vector<16xi32>
      %xor3A_349 = arith.xori %add3A_341, %or3A_348 : vector<16xi32>
      %add3A_350 = arith.constant 45 : i32
      %add3A_351 = vector.broadcast %add3A_350 : i32 to vector<16xi32>
      %add3A_352 = arith.addi %xor3A_349, %add3A_351 : vector<16xi32>
      %add3A_353 = arith.addi %add3A_341, %add3A_352 : vector<16xi32>
      %shift_left3A_354 = arith.constant 17 : i32
      %shift_left3A_355 = vector.broadcast %shift_left3A_354 : i32 to vector<16xi32>
      %shift_left3A_356 = arith.shli %add3A_352, %shift_left3A_355 : vector<16xi32>
      %shift_right_logical3A_357 = arith.constant 15 : i32
      %shift_right_logical3A_358 = vector.broadcast %shift_right_logical3A_357 : i32 to vector<16xi32>
      %shift_right_logical3A_359 = arith.shrui %add3A_352, %shift_right_logical3A_358 : vector<16xi32>
      %or3A_360 = arith.ori %shift_left3A_356, %shift_right_logical3A_359 : vector<16xi32>
      %xor3A_361 = arith.xori %add3A_353, %or3A_360 : vector<16xi32>
      %add3A_362 = arith.addi %add3A_353, %xor3A_361 : vector<16xi32>
      %shift_left3A_363 = arith.constant 29 : i32
      %shift_left3A_364 = vector.broadcast %shift_left3A_363 : i32 to vector<16xi32>
      %shift_left3A_365 = arith.shli %xor3A_361, %shift_left3A_364 : vector<16xi32>
      %shift_right_logical3A_366 = arith.constant 3 : i32
      %shift_right_logical3A_367 = vector.broadcast %shift_right_logical3A_366 : i32 to vector<16xi32>
      %shift_right_logical3A_368 = arith.shrui %xor3A_361, %shift_right_logical3A_367 : vector<16xi32>
      %or3A_369 = arith.ori %shift_left3A_365, %shift_right_logical3A_368 : vector<16xi32>
      %xor3A_370 = arith.xori %add3A_362, %or3A_369 : vector<16xi32>
      %add3A_371 = arith.addi %add3A_362, %xor3A_370 : vector<16xi32>
      %shift_left3A_372 = arith.constant 16 : i32
      %shift_left3A_373 = vector.broadcast %shift_left3A_372 : i32 to vector<16xi32>
      %shift_left3A_374 = arith.shli %xor3A_370, %shift_left3A_373 : vector<16xi32>
      %shift_right_logical3A_375 = arith.constant 16 : i32
      %shift_right_logical3A_376 = vector.broadcast %shift_right_logical3A_375 : i32 to vector<16xi32>
      %shift_right_logical3A_377 = arith.shrui %xor3A_370, %shift_right_logical3A_376 : vector<16xi32>
      %or3A_378 = arith.ori %shift_left3A_374, %shift_right_logical3A_377 : vector<16xi32>
      %xor3A_379 = arith.xori %add3A_371, %or3A_378 : vector<16xi32>
      %add3A_380 = arith.addi %add3A_371, %xor3A_379 : vector<16xi32>
      %shift_left3A_381 = arith.constant 24 : i32
      %shift_left3A_382 = vector.broadcast %shift_left3A_381 : i32 to vector<16xi32>
      %shift_left3A_383 = arith.shli %xor3A_379, %shift_left3A_382 : vector<16xi32>
      %shift_right_logical3A_384 = arith.constant 8 : i32
      %shift_right_logical3A_385 = vector.broadcast %shift_right_logical3A_384 : i32 to vector<16xi32>
      %shift_right_logical3A_386 = arith.shrui %xor3A_379, %shift_right_logical3A_385 : vector<16xi32>
      %or3A_387 = arith.ori %shift_left3A_383, %shift_right_logical3A_386 : vector<16xi32>
      %xor3A_388 = arith.xori %add3A_380, %or3A_387 : vector<16xi32>
      %add3A_389 = arith.constant 42 : i32
      %add3A_390 = vector.broadcast %add3A_389 : i32 to vector<16xi32>
      %add3A_391 = arith.addi %add3A_380, %add3A_390 : vector<16xi32>
      %add3A_392 = arith.constant 466689012 : i32
      %add3A_393 = vector.broadcast %add3A_392 : i32 to vector<16xi32>
      %add3A_394 = arith.addi %xor3A_388, %add3A_393 : vector<16xi32>
      %add3A_395 = arith.addi %add3A_391, %add3A_394 : vector<16xi32>
      %shift_left3A_396 = arith.constant 13 : i32
      %shift_left3A_397 = vector.broadcast %shift_left3A_396 : i32 to vector<16xi32>
      %shift_left3A_398 = arith.shli %add3A_394, %shift_left3A_397 : vector<16xi32>
      %shift_right_logical3A_399 = arith.constant 19 : i32
      %shift_right_logical3A_400 = vector.broadcast %shift_right_logical3A_399 : i32 to vector<16xi32>
      %shift_right_logical3A_401 = arith.shrui %add3A_394, %shift_right_logical3A_400 : vector<16xi32>
      %or3A_402 = arith.ori %shift_left3A_398, %shift_right_logical3A_401 : vector<16xi32>
      %xor3A_403 = arith.xori %add3A_395, %or3A_402 : vector<16xi32>
      %add3A_404 = arith.addi %add3A_395, %xor3A_403 : vector<16xi32>
      %shift_left3A_405 = arith.constant 15 : i32
      %shift_left3A_406 = vector.broadcast %shift_left3A_405 : i32 to vector<16xi32>
      %shift_left3A_407 = arith.shli %xor3A_403, %shift_left3A_406 : vector<16xi32>
      %shift_right_logical3A_408 = arith.constant 17 : i32
      %shift_right_logical3A_409 = vector.broadcast %shift_right_logical3A_408 : i32 to vector<16xi32>
      %shift_right_logical3A_410 = arith.shrui %xor3A_403, %shift_right_logical3A_409 : vector<16xi32>
      %or3A_411 = arith.ori %shift_left3A_407, %shift_right_logical3A_410 : vector<16xi32>
      %xor3A_412 = arith.xori %add3A_404, %or3A_411 : vector<16xi32>
      %add3A_413 = arith.addi %add3A_404, %xor3A_412 : vector<16xi32>
      %shift_left3A_414 = arith.constant 26 : i32
      %shift_left3A_415 = vector.broadcast %shift_left3A_414 : i32 to vector<16xi32>
      %shift_left3A_416 = arith.shli %xor3A_412, %shift_left3A_415 : vector<16xi32>
      %shift_right_logical3A_417 = arith.constant 6 : i32
      %shift_right_logical3A_418 = vector.broadcast %shift_right_logical3A_417 : i32 to vector<16xi32>
      %shift_right_logical3A_419 = arith.shrui %xor3A_412, %shift_right_logical3A_418 : vector<16xi32>
      %or3A_420 = arith.ori %shift_left3A_416, %shift_right_logical3A_419 : vector<16xi32>
      %xor3A_421 = arith.xori %add3A_413, %or3A_420 : vector<16xi32>
      %add3A_422 = arith.addi %add3A_413, %xor3A_421 : vector<16xi32>
      %shift_left3A_423 = arith.constant 6 : i32
      %shift_left3A_424 = vector.broadcast %shift_left3A_423 : i32 to vector<16xi32>
      %shift_left3A_425 = arith.shli %xor3A_421, %shift_left3A_424 : vector<16xi32>
      %shift_right_logical3A_426 = arith.constant 26 : i32
      %shift_right_logical3A_427 = vector.broadcast %shift_right_logical3A_426 : i32 to vector<16xi32>
      %shift_right_logical3A_428 = arith.shrui %xor3A_421, %shift_right_logical3A_427 : vector<16xi32>
      %or3A_429 = arith.ori %shift_left3A_425, %shift_right_logical3A_428 : vector<16xi32>
      %xor3A_430 = arith.xori %add3A_422, %or3A_429 : vector<16xi32>
      %add3A_431 = arith.constant 466689008 : i32
      %add3A_432 = vector.broadcast %add3A_431 : i32 to vector<16xi32>
      %add3A_433 = arith.addi %add3A_422, %add3A_432 : vector<16xi32>
      %add3A_434 = arith.constant 5 : i32
      %add3A_435 = vector.broadcast %add3A_434 : i32 to vector<16xi32>
      %add3A_436 = arith.addi %xor3A_430, %add3A_435 : vector<16xi32>
      %xor3A_437 = arith.xori %add3A_433, %add3A_436 : vector<16xi32>
      %mul3A_438 = arith.constant 16 : i32
      %mul3A_439 = arith.muli %scan3A_8, %mul3A_438 : i32
      %swap3A_440 = arith.index_cast %mul3A_439 : i32 to index
      %swap3A_441 = tpu.vector_load %arg5[%swap3A_440] {strides = array<i32>} : memref<512xi32, #tpu.memory_space<vmem>>, vector<16xi32>,
      %swap3A_442 = vector.shape_cast %swap3A_441 : vector<16xi32> to vector<16xi32>
      %swap3A_443 = vector.shape_cast %xor3A_437 : vector<16xi32> to vector<16xi32>
      tpu.vector_store %arg5[%swap3A_440], %swap3A_443 {strides = array<i32>} : memref<512xi32, #tpu.memory_space<vmem>>, vector<16xi32>,
    }
    %scan3A_7 = arith.constant 32 : i32
    "tpu.region"() ({
      %run_scoped3A = tpu.sem_alloc : memref<!tpu.dma_semaphore, #tpu.memory_space<semaphore_mem>>
      %dma_start3A = tpu.memref_slice %arg2[%mul3A_2] : memref<16384xi32, #tpu.memory_space<hbm>> -> memref<512xi32, #tpu.memory_space<hbm>>
      %dma_start3A_8 = tpu.memref_slice %arg2[%mul3A_2] : memref<16384xi32, #tpu.memory_space<hbm>> -> memref<512xi32, #tpu.memory_space<hbm>>
      tpu.enqueue_dma source(%arg4 : memref<512xi32, #tpu.memory_space<vmem>>) target(%dma_start3A_8 : memref<512xi32, #tpu.memory_space<hbm>>) target_semaphore(%run_scoped3A : memref<!tpu.dma_semaphore, #tpu.memory_space<semaphore_mem>>)
      %dma_wait3A = tpu.memref_slice %arg2[%mul3A_2] : memref<16384xi32, #tpu.memory_space<hbm>> -> memref<512xi32, #tpu.memory_space<hbm>>
      %dma_wait3A_9 = tpu.memref_slice %arg2[%mul3A_2] : memref<16384xi32, #tpu.memory_space<hbm>> -> memref<512xi32, #tpu.memory_space<hbm>>
      tpu.wait_dma2 semaphore(%run_scoped3A : memref<!tpu.dma_semaphore, #tpu.memory_space<semaphore_mem>>) src(%arg4 : memref<512xi32, #tpu.memory_space<vmem>>) dst(%dma_wait3A_9 : memref<512xi32, #tpu.memory_space<hbm>>)
      tpu.yield
    }) : () -> ()
    "tpu.region"() ({
      %run_scoped3A = tpu.sem_alloc : memref<!tpu.dma_semaphore, #tpu.memory_space<semaphore_mem>>
      %dma_start3A = tpu.memref_slice %arg3[%mul3A_2] : memref<16384xi32, #tpu.memory_space<hbm>> -> memref<512xi32, #tpu.memory_space<hbm>>
      %dma_start3A_8 = tpu.memref_slice %arg3[%mul3A_2] : memref<16384xi32, #tpu.memory_space<hbm>> -> memref<512xi32, #tpu.memory_space<hbm>>
      tpu.enqueue_dma source(%arg5 : memref<512xi32, #tpu.memory_space<vmem>>) target(%dma_start3A_8 : memref<512xi32, #tpu.memory_space<hbm>>) target_semaphore(%run_scoped3A : memref<!tpu.dma_semaphore, #tpu.memory_space<semaphore_mem>>)
      %dma_wait3A = tpu.memref_slice %arg3[%mul3A_2] : memref<16384xi32, #tpu.memory_space<hbm>> -> memref<512xi32, #tpu.memory_space<hbm>>
      %dma_wait3A_9 = tpu.memref_slice %arg3[%mul3A_2] : memref<16384xi32, #tpu.memory_space<hbm>> -> memref<512xi32, #tpu.memory_space<hbm>>
      tpu.wait_dma2 semaphore(%run_scoped3A : memref<!tpu.dma_semaphore, #tpu.memory_space<semaphore_mem>>) src(%arg5 : memref<512xi32, #tpu.memory_space<vmem>>) dst(%dma_wait3A_9 : memref<512xi32, #tpu.memory_space<hbm>>)
      tpu.yield
    }) : () -> ()
    return
  }
}

module attributes {stable_mosaic.version = 14 : i64} {
  func.func @_tc_body(%arg0: memref<128x128xf32, #tpu.memory_space<vmem>>, %arg1: memref<128x128xi32, #tpu.memory_space<vmem>>, %arg2: memref<128x128xi32, #tpu.memory_space<vmem>>, %arg3: memref<128x128xi32, #tpu.memory_space<vmem>>, %arg4: memref<128x128xf32, #tpu.memory_space<vmem>>, %arg5: memref<128x128xf32, #tpu.memory_space<vmem>>) attributes {dimension_semantics = [], scalar_prefetch = 0 : i64, scratch_operands = 0 : i64, tpu.core_type = #tpu.core_type<tc>} {
    %get3A = arith.constant 0 : index
    %get3A_0 = arith.constant 0 : index
    %get3A_1 = vector.load %arg0[%get3A, %get3A_0] : memref<128x128xf32, #tpu.memory_space<vmem>>, vector<128x128xf32>
    %get3A_2 = arith.constant 0 : index
    %get3A_3 = arith.constant 0 : index
    %get3A_4 = vector.load %arg1[%get3A_2, %get3A_3] : memref<128x128xi32, #tpu.memory_space<vmem>>, vector<128x128xi32>
    %shift_right_logical3A = arith.constant 9 : i32
    %shift_right_logical3A_5 = vector.broadcast %shift_right_logical3A : i32 to vector<128x128xi32>
    %shift_right_logical3A_6 = arith.shrui %get3A_4, %shift_right_logical3A_5 : vector<128x128xi32>
    %or3A = arith.constant 1065353216 : i32
    %or3A_7 = vector.broadcast %or3A : i32 to vector<128x128xi32>
    %or3A_8 = arith.ori %shift_right_logical3A_6, %or3A_7 : vector<128x128xi32>
    %bitcast_convert_type3A = tpu.bitcast %or3A_8 : vector<128x128xi32> -> vector<128x128xf32>
    %sub3A = arith.constant 1.000000e+00 : f32
    %sub3A_9 = vector.broadcast %sub3A : f32 to vector<128x128xf32>
    %sub3A_10 = arith.subf %bitcast_convert_type3A, %sub3A_9 : vector<128x128xf32>
    %sub3A_11 = arith.constant 1.000000e+00 : f32
    %sub3A_12 = arith.constant 1.17549435E-38 : f32
    %sub3A_13 = arith.subf %sub3A_11, %sub3A_12 : f32
    %mul3A = vector.broadcast %sub3A_13 : f32 to vector<128x128xf32>
    %mul3A_14 = arith.mulf %sub3A_10, %mul3A : vector<128x128xf32>
    %add3A = arith.constant 1.17549435E-38 : f32
    %add3A_15 = vector.broadcast %add3A : f32 to vector<128x128xf32>
    %add3A_16 = arith.addf %mul3A_14, %add3A_15 : vector<128x128xf32>
    %max3A = arith.constant 1.17549435E-38 : f32
    %max3A_17 = vector.broadcast %max3A : f32 to vector<128x128xf32>
    %max3A_18 = arith.maximumf %max3A_17, %add3A_16 : vector<128x128xf32>
    %log3A = math.log %max3A_18 : vector<128x128xf32>
    %neg3A = arith.constant 0.000000e+00 : f32
    %neg3A_19 = vector.broadcast %neg3A : f32 to vector<128x128xf32>
    %neg3A_20 = arith.subf %neg3A_19, %log3A : vector<128x128xf32>
    %log3A_21 = math.log %neg3A_20 : vector<128x128xf32>
    %neg3A_22 = arith.constant 0.000000e+00 : f32
    %neg3A_23 = vector.broadcast %neg3A_22 : f32 to vector<128x128xf32>
    %neg3A_24 = arith.subf %neg3A_23, %log3A_21 : vector<128x128xf32>
    %get3A_25 = arith.constant 0 : index
    %get3A_26 = arith.constant 0 : index
    %get3A_27 = vector.load %arg2[%get3A_25, %get3A_26] : memref<128x128xi32, #tpu.memory_space<vmem>>, vector<128x128xi32>
    %shift_right_logical3A_28 = arith.constant 9 : i32
    %shift_right_logical3A_29 = vector.broadcast %shift_right_logical3A_28 : i32 to vector<128x128xi32>
    %shift_right_logical3A_30 = arith.shrui %get3A_27, %shift_right_logical3A_29 : vector<128x128xi32>
    %or3A_31 = arith.constant 1065353216 : i32
    %or3A_32 = vector.broadcast %or3A_31 : i32 to vector<128x128xi32>
    %or3A_33 = arith.ori %shift_right_logical3A_30, %or3A_32 : vector<128x128xi32>
    %bitcast_convert_type3A_34 = tpu.bitcast %or3A_33 : vector<128x128xi32> -> vector<128x128xf32>
    %sub3A_35 = arith.constant 1.000000e+00 : f32
    %sub3A_36 = vector.broadcast %sub3A_35 : f32 to vector<128x128xf32>
    %sub3A_37 = arith.subf %bitcast_convert_type3A_34, %sub3A_36 : vector<128x128xf32>
    %sub3A_38 = arith.constant 1.000000e+00 : f32
    %sub3A_39 = arith.constant 1.17549435E-38 : f32
    %sub3A_40 = arith.subf %sub3A_38, %sub3A_39 : f32
    %mul3A_41 = vector.broadcast %sub3A_40 : f32 to vector<128x128xf32>
    %mul3A_42 = arith.mulf %sub3A_37, %mul3A_41 : vector<128x128xf32>
    %add3A_43 = arith.constant 1.17549435E-38 : f32
    %add3A_44 = vector.broadcast %add3A_43 : f32 to vector<128x128xf32>
    %add3A_45 = arith.addf %mul3A_42, %add3A_44 : vector<128x128xf32>
    %max3A_46 = arith.constant 1.17549435E-38 : f32
    %max3A_47 = vector.broadcast %max3A_46 : f32 to vector<128x128xf32>
    %max3A_48 = arith.maximumf %max3A_47, %add3A_45 : vector<128x128xf32>
    %log3A_49 = math.log %max3A_48 : vector<128x128xf32>
    %neg3A_50 = arith.constant 0.000000e+00 : f32
    %neg3A_51 = vector.broadcast %neg3A_50 : f32 to vector<128x128xf32>
    %neg3A_52 = arith.subf %neg3A_51, %log3A_49 : vector<128x128xf32>
    %log3A_53 = math.log %neg3A_52 : vector<128x128xf32>
    %neg3A_54 = arith.constant 0.000000e+00 : f32
    %neg3A_55 = vector.broadcast %neg3A_54 : f32 to vector<128x128xf32>
    %neg3A_56 = arith.subf %neg3A_55, %log3A_53 : vector<128x128xf32>
    %logistic3A = arith.negf %get3A_1 : vector<128x128xf32>
    %logistic3A_57 = math.exp %logistic3A : vector<128x128xf32>
    %logistic3A_58 = arith.constant 1.000000e+00 : f32
    %logistic3A_59 = vector.broadcast %logistic3A_58 : f32 to vector<128x128xf32>
    %logistic3A_60 = arith.addf %logistic3A_59, %logistic3A_57 : vector<128x128xf32>
    %logistic3A_61 = arith.divf %logistic3A_59, %logistic3A_60 : vector<128x128xf32>
    %sub3A_62 = arith.constant 1.000000e+00 : f32
    %sub3A_63 = vector.broadcast %sub3A_62 : f32 to vector<128x128xf32>
    %sub3A_64 = arith.subf %sub3A_63, %logistic3A_61 : vector<128x128xf32>
    %log3A_65 = math.log %sub3A_64 : vector<128x128xf32>
    %log3A_66 = math.log %logistic3A_61 : vector<128x128xf32>
    %mul3A_67 = arith.mulf %log3A_65, %sub3A_64 : vector<128x128xf32>
    %mul3A_68 = arith.mulf %log3A_66, %logistic3A_61 : vector<128x128xf32>
    %add3A_69 = arith.addf %mul3A_67, %mul3A_68 : vector<128x128xf32>
    %neg3A_70 = arith.constant 0.000000e+00 : f32
    %neg3A_71 = vector.broadcast %neg3A_70 : f32 to vector<128x128xf32>
    %neg3A_72 = arith.subf %neg3A_71, %add3A_69 : vector<128x128xf32>
    %swap3A = arith.constant 0 : index
    %swap3A_73 = arith.constant 0 : index
    %swap3A_74 = vector.load %arg4[%swap3A, %swap3A_73] : memref<128x128xf32, #tpu.memory_space<vmem>>, vector<128x128xf32>
    tpu.vector_store %arg4[%swap3A, %swap3A_73], %neg3A_72 {strides = array<i32>} : memref<128x128xf32, #tpu.memory_space<vmem>>, vector<128x128xf32>,
    %add3A_75 = arith.addf %neg3A_56, %log3A_66 : vector<128x128xf32>
    %add3A_76 = arith.addf %neg3A_24, %log3A_65 : vector<128x128xf32>
    %gt3A = arith.cmpf ogt, %add3A_75, %add3A_76 : vector<128x128xf32>
    %convert_element_type3A = arith.extui %gt3A : vector<128x128xi1> to vector<128x128xi32>
    %swap3A_77 = arith.constant 0 : index
    %swap3A_78 = arith.constant 0 : index
    %swap3A_79 = vector.load %arg3[%swap3A_77, %swap3A_78] : memref<128x128xi32, #tpu.memory_space<vmem>>, vector<128x128xi32>
    tpu.vector_store %arg3[%swap3A_77, %swap3A_78], %convert_element_type3A {strides = array<i32>} : memref<128x128xi32, #tpu.memory_space<vmem>>, vector<128x128xi32>,
    %select_n3A = arith.select %gt3A, %log3A_66, %log3A_65 : vector<128x128xi1>, vector<128x128xf32>
    %swap3A_80 = arith.constant 0 : index
    %swap3A_81 = arith.constant 0 : index
    %swap3A_82 = vector.load %arg5[%swap3A_80, %swap3A_81] : memref<128x128xf32, #tpu.memory_space<vmem>>, vector<128x128xf32>
    tpu.vector_store %arg5[%swap3A_80, %swap3A_81], %select_n3A {strides = array<i32>} : memref<128x128xf32, #tpu.memory_space<vmem>>, vector<128x128xf32>,
    return
  }
}

</mosaic_0001>

<sc_bundles>
// kernel: kernel.4.cloned.1.call-start
scs
__scs_entry_jumppad:
0x0: {  	(pc) =	sbr.rel $0x88, $3  }
0x1: {  	(tag) =	ssettag $0x0;
	lr =	simm.s32 $0x1  }
0x2: {  	[smem:$0x3FA0] =	sst lr;
	_ =	strace $0xD0000000  }
0x3: {  	_ = 	snop  }
0x4: {  	_ = 	snop  }
0x5: {  	_ = 	snop  }
0x6: {  	_ = 	snop  }
0x7: {  	_ = 	snop  }
__scs_overlays_trampoline_lowered:
0x8: {  	[smem:$0x3FAF] =	sst s0  }
0x9: {  	[smem:$0x3FB0] =	sst s1  }
0xa: {  	[smem:$0x3FB1] =	sst s2  }
0xb: {  	[smem:$0x3FB2] =	sst s3  }
0xc: {  	[smem:$0x3FB3] =	sst s4  }
0xd: {  	[smem:$0x3FB4] =	sst s5  }
0xe: {  	[smem:$0x3FB5] =	sst s6  }
0xf: {  	[smem:$0x3FB6] =	sst s7  }
0x10: {  	[smem:$0x3FB7] =	sst s8  }
0x11: {  	[smem:$0x3FB8] =	sst s9;
	s0 =	simm.s32 @!p0 $0x0  }
0x12: {  	s1 =	sld [smem:$0x3F9E];
	s0 =	simm.s32 @p0 $0x1  }
0x13: {  	[smem:$0x3FB9] =	sst s0;
	s0 =	simm.s32 @!p1 $0x0  }
0x14: {  	s2 =	sld [smem:$0x3F9D];
	s0 =	simm.s32 @p1 $0x1  }
0x15: {  	[smem:$0x3FBA] =	sst s0;
	s0 =	simm.s32 @!p2 $0x0  }
0x16: {  	s3 =	sld [smem:$0x3FDB];
	s0 =	simm.s32 @p2 $0x1  }
0x17: {  	s4 =	simm.s32 $0x1BF5;
	[smem:$0x3FBC] =	sst s0  }
0x18: {  	s0 =	sld [smem:$0x3F9F];
	_ =	swait.ge [sflag:s4], $0x0  }
0x19: {  	s7 =	sld [smem:$0x3FA0]  }
0x1a: {  	s8 =	sadd.s32 $0xFFFFE003, lr  }
0x1b: {  	s9 =	sadd.s32 $0xFFFFFEF7, lr;
	s5 =	simm.s32 $0xFFFFFFFF;
	p2 =	slt.u32 s8, $0xFFFFF086  }
0x1c: {  	p1 =	slt.u32 s9, $0xF7A;
	s5 =	simm.s32 @!p2 $0x0  }
0x1d: {  	s5 =	simm.s32 @p1 $0x1;
	p0 =	seq.s32 s7, s2  }
0x1e: {  	s7 =	smul.u32 @!p0 $0xF7A, s2;
	p2 =	seq.s32 @!p0 s5, $0x0  }
0x1f: {  	s9 =	smul.u32 $0xF7A, s1;
	s8 =	simm.s32 @!p0 $0x1BF5;
	p2 =	por !p2, p0  }
0x20: {  	[sflag:s8] =	ssyncset.s32 @!p0 $0xFFFFF086;
	s6 =	sadd.s32 @!p0 s3, s7;
	s7 =	simm.s32 @!p0 $0x108  }
0x21: {  	s3 =	sadd.s32 s3, s9;
	s6 =	sadd.s32 @!p0 $0x88, s6;
	s7 =	simm.s32 @p2 $0x1082  }
0x22: {  	[simem:s7], [sflag:s8] =	dma.local @!p0 [hbm:s6], $0xF7A  }
0x23: {  	s9 =	sor.u32 $0xD0000000, s2;
	s6 =	simm.s32 $0x108;
	_ =	swait.ge @!p0 [sflag:s8], $0x0  }
0x24: {  	s3 =	sadd.s32 $0x88, s3;
	s6 =	simm.s32 @!p1 $0x1082;
	[sflag:s4] =	ssyncset.s32 $0xFFFFF086  }
0x25: {  	[simem:s6], [sflag:s4] =	dma.local [hbm:s3], $0xF7A  }
0x26: {  	[smem:$0x3FA0] =	sst s1;
	(tag) =	ssettag s2;
	_ =	strace s9  }
0x27: {  	s1 =	sld [smem:$0x3FB0]  }
0x28: {  	s2 =	sld [smem:$0x3FB1]  }
0x29: {  	s4 =	sld [smem:$0x3FB3]  }
0x2a: {  	p0 =	seq.s32 s5, $0x0;
	s5 =	sld [smem:$0x3FB4]  }
0x2b: {  	s6 =	sld [smem:$0x3FB5]  }
0x2c: {  	s7 =	sld [smem:$0x3FB6]  }
0x2d: {  	s3 =	simm.s32 $0x108;
	s8 =	sld [smem:$0x3FB7]  }
0x2e: {  	s3 =	simm.s32 @!p0 $0x1082;
	s9 =	sld [smem:$0x3FB8]  }
0x2f: {  	lr =	sadd.s32 s0, s3;
	s0 =	sld [smem:$0x3FAF]  }
0x30: {  	s3 =	sld [smem:$0x3FB2]  }
0x31: {  	[smem:$0x3FBB] =	sst s10  }
0x32: {  	s10 =	sld [smem:$0x3FB9];
	_ =	sdelay $0x3  }
0x33: {  	p0 =	seq.s32 s10, $0x1;
	s10 =	sld [smem:$0x3FBB];
	_ =	sdelay $0x3  }
0x34: {  	[smem:$0x3FBB] =	sst s10  }
0x35: {  	s10 =	sld [smem:$0x3FBA];
	_ =	sdelay $0x3  }
0x36: {  	p1 =	seq.s32 s10, $0x1;
	s10 =	sld [smem:$0x3FBB];
	_ =	sdelay $0x3  }
0x37: {  	[smem:$0x3FBB] =	sst s10  }
0x38: {  	s10 =	sld [smem:$0x3FBC]  }
0x39: {  	_ = 	snop;
	(pc) =	sbr.ind lr, $3  }
0x3a: {  	_ = 	snop  }
0x3b: {  	_ = 	snop  }
0x3c: {  	p2 =	seq.s32 s10, $0x1;
	s10 =	sld [smem:$0x3FBB]  }
0x3d: {  	_ =	shalt  }
0x3e: {  	_ =	shalt  }
0x3f: {  	_ =	shalt  }
0x40: {  	_ =	shalt  }
0x41: {  	_ =	shalt  }
0x42: {  	_ =	shalt  }
0x43: {  	_ =	shalt  }
0x44: {  	_ =	shalt  }
0x45: {  	_ =	shalt  }
0x46: {  	_ =	shalt  }
0x47: {  	_ =	shalt  }
0x48: {  	_ =	shalt  }
0x49: {  	_ =	shalt  }
0x4a: {  	_ =	shalt  }
0x4b: {  	_ =	shalt  }
0x4c: {  	_ =	shalt  }
0x4d: {  	_ =	shalt  }
0x4e: {  	_ =	shalt  }
0x4f: {  	_ =	shalt  }
0x50: {  	_ =	shalt  }
0x51: {  	_ =	shalt  }
0x52: {  	_ =	shalt  }
0x53: {  	_ =	shalt  }
0x54: {  	_ =	shalt  }
0x55: {  	_ =	shalt  }
0x56: {  	_ =	shalt  }
0x57: {  	_ =	shalt  }
0x58: {  	_ =	shalt  }
0x59: {  	_ =	shalt  }
0x5a: {  	_ =	shalt  }
0x5b: {  	_ =	shalt  }
0x5c: {  	_ =	shalt  }
0x5d: {  	_ =	shalt  }
0x5e: {  	_ =	shalt  }
0x5f: {  	_ =	shalt  }
0x60: {  	_ =	shalt  }
0x61: {  	_ =	shalt  }
0x62: {  	_ =	shalt  }
0x63: {  	_ =	shalt  }
0x64: {  	_ =	shalt  }
0x65: {  	_ =	shalt  }
0x66: {  	_ =	shalt  }
0x67: {  	_ =	shalt  }
0x68: {  	_ =	shalt  }
0x69: {  	_ =	shalt  }
0x6a: {  	_ =	shalt  }
0x6b: {  	_ =	shalt  }
0x6c: {  	_ =	shalt  }
0x6d: {  	_ =	shalt  }
0x6e: {  	_ =	shalt  }
0x6f: {  	_ =	shalt  }
0x70: {  	_ =	shalt  }
0x71: {  	_ =	shalt  }
0x72: {  	_ =	shalt  }
0x73: {  	_ =	shalt  }
0x74: {  	_ =	shalt  }
0x75: {  	_ =	shalt  }
0x76: {  	_ =	shalt  }
0x77: {  	_ =	shalt  }
0x78: {  	_ =	shalt  }
0x79: {  	_ =	shalt  }
0x7a: {  	_ =	shalt  }
0x7b: {  	_ =	shalt  }
0x7c: {  	_ =	shalt  }
0x7d: {  	_ =	shalt  }
0x7e: {  	_ =	shalt  }
0x7f: {  	_ =	shalt  }
0x80: {  	_ =	shalt  }
0x81: {  	_ =	shalt  }
0x82: {  	_ =	shalt  }
0x83: {  	_ =	shalt  }
0x84: {  	_ =	shalt  }
0x85: {  	_ =	shalt  }
0x86: {  	_ =	shalt  }
0x87: {  	_ =	shalt  }
.Lfunc_end0:
.L_simem_size_0:
called_computation_lowered:
.L_overlay_start_0:
0x88: {  	s2 =	sld [smem:$0x3FD9]  }
0x89: {  	s3 =	sld [smem:$0x3FFE];
	_ =	sdelay $0x1  }
0x8a: {  	s1 =	srdreg.scid  }
0x8b: {  	s0 =	sand.u32 $0x1, s1  }
0x8c: {  	s15 =	sshll.u32 s0, $0xA;
	s2 =	sadd.s32 s3, s2  }
0x8d: {  	s2 =	sadd.s32 s2, s15  }
0x8e: {  	[smem:$0x3FC7] =	sst s2  }
0x8f: {  	_ = 	snop  }
0x90: {  	s2 =	sld [smem:$0x3FD0];
	_ =	sdelay $0x2  }
0x91: {  	s16 =	simm.s32 $0xA;
	s4 =	simm.s32 $0x10  }
0x92: {  	[smem:s4], [sflag:s16] =	dma.local [hbm:s2], $0x1  }
0x93: {  	_ =	swait.eq [sflag:s16], $0x1  }
0x94: {  	[sflag:s16] =	ssyncset.done $0x0  }
0x95: {  	s17 =	sld [smem:$0x11];
	[sflag:s16] =	ssyncadd.s32 $0xFFFFFFFF  }
0x96: {  	s18 =	sld [smem:$0x12];
	(tm) =	ssettm $0x1  }
0x97: {  	s19 =	sld [smem:$0x3FFB];
	_ =	sdelay $0x3  }
0x98: {  	_ =	strace s19  }
0x99: {  	s4 =	sld [smem:$0x3FFC];
	_ =	sdelay $0x3  }
0x9a: {  	_ =	strace s4  }
0x9b: {  	s4 =	sld [smem:$0x3FFD];
	_ =	sdelay $0x3  }
0x9c: {  	_ =	strace s4  }
0x9d: {  	_ =	strace $0x8FFFFFFF  }
0x9e: {  	s20 =	sld [smem:$0x3FDB];
	_ =	sdelay $0x1  }
0x9f: {  	s5 =	simm.s32 $_scs_section_size  }
0xa0: {  	s6 =	simm.s32 $_size__tile_overlayer_lowered;
	s7 =	simm.s32 $_tile_overlayer_lowered  }
0xa1: {  	s23 =	simm.s32 $0x1BFF;
	s22 =	sshll.u32 s7, $0x1;
	s4 =	sadd.s32 s5, s20  }
0xa2: {  	s8 =	simm.s32 $0x0;
	s21 =	sshll.u32 s6, $0x1;
	s6 =	sadd.s32 s22, s4  }
0xa3: {  	[timem:s8], [sflag:s23] =	dma.local [hbm:s6], s21  }
0xa4: {  	_ =	swait.ge [sflag:s23], s21  }
0xa5: {  	s5 =	ssub.s32 $0x0, s21;
	[sflag:s23] =	ssyncset.done $0x0  }
0xa6: {  	[sflag:s23] =	ssyncadd.s32 s5;
	_ =	sdelay $0x1  }
0xa7: {  	s24 =	simm.s32 $0x1B8B  }
0xa8: {  	_ =	swait.ge [sflag:s24], $0x1  }
0xa9: {  	[sflag:s24] =	ssyncset.done $0x0  }
0xaa: {  	s25 =	simm.s32 $0x1B8E;
	[sflag:s24] =	ssyncadd.s32 $0xFFFFFFFF  }
0xab: {  	s26 =	simm.s32 $execute0_lowered;
	[smem:$0x3FD2] =	sst s25  }
0xac: {  	s5 =	sshll.u32 s26, $0x1;
	_ =	strace $0x80000046;
	[dreg:$0x1] =	wrdreg $0xFFFFFFFF  }
0xad: {  	s28 =	simm.s32 $_size_execute0_lowered;
	s4 =	sadd.s32 s4, s5;
	[dreg:$0x0] =	wrdreg $0x0  }
0xae: {  	s5 =	sshll.u32 s28, $0x1;
	[dreg:$0x2] =	wrdreg s4  }
0xaf: {  	[dreg:$0x3] =	wrdreg s5  }
0xb0: {  	[dreg:$0x4] =	wrdreg $0xC0  }
0xb1: {  	_ =	task [dreg:s8], $0x5FFFF  }
0xb2: {  	[dreg:$0x1] =	wrdreg $0xFFFFFFFF  }
0xb3: {  	[dreg:$0x0] =	wrdreg $0x60  }
0xb4: {  	[dreg:$0x2] =	wrdreg s18  }
0xb5: {  	[dreg:$0x3] =	wrdreg s17  }
0xb6: {  	[dreg:$0x4] =	wrdreg $0x9  }
0xb7: {  	_ =	task.clear_ibuf [dreg:s8], $0x5FFFF;
	_ =	strace $0x90000046  }
0xb8: {  	s29 =	simm.s32 $0x9;
	_ =	strace $0x80000048  }
0xb9: {  	_ =	swait.ge [sflag:s29], $0x1  }
0xba: {  	[sflag:s29] =	ssyncadd.s32 $0xFFFFFFFF  }
0xbb: {  	_ =	strace $0x90000048  }
0xbc: {  	_ =	sfence  }
0xbd: {  	s30 =	sld [smem:$0x0];
	_ =	sdelay $0x2  }
0xbe: {  	s31 =	sshll.u32 s1, $0xD;
	s1 =	sshrl.u32 s1, $0x2  }
0xbf: {  	s3 =	sand.u32 $0x4000, s31;
	s1 =	sadd.s32 s1, s30  }
0xc0: {  	s0 =	sor.u32 s3, s0;
	s1 =	sshll.u32 s1, $0x11  }
0xc1: {  	s0 =	sor.u32 s1, s0  }
0xc2: {  	s0 =	sadd.s32 $0x8F2B, s0  }
0xc3: {  	[sflag:s0] =	ssyncadd.remote.s32 $0x1  }
0xc4: {  	_ =	sfence.sel $0xFFFF  }
0xc5: {  	[dreg:$0x0] =	wrdreg $0xFFFFFFFF;
	(pc) =	sbr.abs _section_cstart, $3  }
0xc6: {  	[dreg:$0x1] =	wrdreg $0xFFFFFFFF  }
0xc7: {  	_ =	task.clear_ibuf [dreg:s8], $0x2FFFF;
	_ =	strace $0x9FFFFFFF  }
0xc8: {  	(tm) =	ssettm $0x7FFFFFFF  }
0xc9: {  	_ =	shalt  }
tec
execute0_lowered:
.L_overlay_start_1:
0x0: {  	(tag) =	ssettag $0x1  }
0x1: {  	s4 =	rddreg [dreg:$0x0]  }
0x2: {  	s5 =	rddreg [dreg:$0x1]  }
0x3: {  	s0 =	rddreg [dreg:$0x2];
	s3 =	srdreg.scid  }
0x4: {  	s2 =	simm.s32 $0x0;
	s1 =	stileid.u32;
	s3 =	sand.u32 $0x1, s3  }
0x5: {  	s7 =	sshll.u32 s1, $0xA;
	s6 =	ssub.s32 $0x2, s3;
	s3 =	sshll.u32 s3, $0x9  }
0x6: {  	s9 =	simm.s32 $0x0;
	[smem:$0x7FF] =	sst s2;
	s3 =	sor.u32 s3, s7  }
0x7: {  	_ =	strace $0x80000047;
	s8 =	sshrl.u32 s6, $0x1;
	s7 =	sshrl.u32 s3, $0x3  }
0x8: {  	v0 =	vlaneseq.u32;
	s6 =	ssub.s32 s6, s8;
	s8 =	simm.s32 $0x200;
	s4 =	sadd.s32 s4, s7  }
0x9: {  	v0 =	vmul.u32 $0x2, v0;
	s5 =	sadd.s32 s5, s7;
	s6 =	smax.u32 s6, $0x1;
	s7 =	simm.s32 $0x1  }
.LBB2_1:
0xa: {  	v1 =	vmov s3  }
0xb: {  	v1 =	vshll.u32 v1, $0x1  }
0xc: {  	v1 =	vor.u32 v0, v1  }
0xd: {  	v2 =	vadd.s32 $0x2B, v1  }
0xe: {  	v1 =	vadd.s32 $0x2A, v1;
	v3 =	vshrl.u32 v2, $0x13;
	v4 =	vshll.u32 v2, $0xD  }
0xf: {  	v5 =	vshrl.u32 v1, $0x13;
	v6 =	vshll.u32 v1, $0xD;
	v3 =	vor.u32 v3, v4  }
0x10: {  	v4 =	vor.u32 v5, v6;
	v3 =	vxor.u32 v2, v3  }
0x11: {  	v4 =	vxor.u32 v1, v4;
	v5 =	vshrl.u32 v3, $0x11;
	v6 =	vshll.u32 v3, $0xF  }
0x12: {  	v7 =	vshrl.u32 v4, $0x11;
	v2 =	vadd.s32 v2, v3;
	v3 =	vor.u32 v5, v6  }
0x13: {  	v1 =	vadd.s32 v1, v4;
	v4 =	vshll.u32 v4, $0xF;
	v3 =	vxor.u32 v3, v2  }
0x14: {  	v4 =	vor.u32 v7, v4;
	v5 =	vshrl.u32 v3, $0x6;
	v6 =	vshll.u32 v3, $0x1A  }
0x15: {  	v4 =	vxor.u32 v4, v1;
	v2 =	vadd.s32 v2, v3;
	v3 =	vor.u32 v5, v6  }
0x16: {  	v5 =	vshrl.u32 v4, $0x6;
	v6 =	vshll.u32 v4, $0x1A;
	v3 =	vxor.u32 v3, v2  }
0x17: {  	v5 =	vor.u32 v5, v6;
	v6 =	vshrl.u32 v3, $0x1A;
	v7 =	vshll.u32 v3, $0x6  }
0x18: {  	v2 =	vadd.s32 v2, v3;
	v3 =	vor.u32 v6, v7  }
0x19: {  	v1 =	vadd.s32 v1, v4;
	v3 =	vxor.u32 v3, v2  }
0x1a: {  	v4 =	vxor.u32 v5, v1;
	v3 =	vadd.s32 $0x1BD11BF1, v3  }
0x1b: {  	v2 =	vadd.s32 v3, v2;
	v6 =	vshrl.u32 v3, $0xF;
	v3 =	vshll.u32 v3, $0x11  }
0x1c: {  	v5 =	vshrl.u32 v4, $0x1A;
	v2 =	vadd.s32 $0x2A, v2;
	v3 =	vor.u32 v6, v3  }
0x1d: {  	v7 =	vshll.u32 v4, $0x6;
	v1 =	vadd.s32 v1, v4;
	v3 =	vxor.u32 v3, v2  }
0x1e: {  	v5 =	vor.u32 v5, v7;
	v4 =	vshrl.u32 v3, $0x3;
	v6 =	vshll.u32 v3, $0x1D  }
0x1f: {  	v5 =	vxor.u32 v5, v1;
	v2 =	vadd.s32 v2, v3;
	v3 =	vor.u32 v4, v6  }
0x20: {  	v4 =	vadd.s32 $0x1BD11BF1, v5;
	v3 =	vxor.u32 v3, v2  }
0x21: {  	v1 =	vadd.s32 v4, v1;
	v5 =	vshrl.u32 v3, $0x10;
	v6 =	vshll.u32 v3, $0x10  }
0x22: {  	v7 =	vshrl.u32 v4, $0xF;
	v2 =	vadd.s32 v2, v3;
	v3 =	vor.u32 v5, v6  }
0x23: {  	v4 =	vshll.u32 v4, $0x11;
	v1 =	vadd.s32 $0x2A, v1;
	v3 =	vxor.u32 v3, v2  }
0x24: {  	v4 =	vor.u32 v7, v4;
	v5 =	vshrl.u32 v3, $0x8;
	v6 =	vshll.u32 v3, $0x18  }
0x25: {  	v4 =	vxor.u32 v4, v1;
	v2 =	vadd.s32 v2, v3;
	v3 =	vor.u32 v5, v6  }
0x26: {  	v5 =	vshrl.u32 v4, $0x3;
	v6 =	vshll.u32 v4, $0x1D;
	v3 =	vxor.u32 v3, v2  }
0x27: {  	v1 =	vadd.s32 v1, v4;
	v4 =	vor.u32 v5, v6;
	v3 =	vadd.s32 $0x2, v3  }
0x28: {  	v2 =	vadd.s32 v3, v2;
	v5 =	vshrl.u32 v3, $0x13;
	v3 =	vshll.u32 v3, $0xD  }
0x29: {  	v4 =	vxor.u32 v4, v1;
	v2 =	vadd.s32 $0x1BD11BF0, v2;
	v3 =	vor.u32 v5, v3  }
0x2a: {  	v6 =	vshll.u32 v4, $0x10;
	v5 =	vshrl.u32 v4, $0x10;
	v3 =	vxor.u32 v3, v2  }
0x2b: {  	v5 =	vor.u32 v5, v6;
	v6 =	vshrl.u32 v3, $0x11;
	v7 =	vshll.u32 v3, $0xF  }
0x2c: {  	v1 =	vadd.s32 v1, v4;
	v2 =	vadd.s32 v2, v3;
	v3 =	vor.u32 v6, v7  }
0x2d: {  	v4 =	vxor.u32 v5, v1;
	v3 =	vxor.u32 v3, v2  }
0x2e: {  	v5 =	vshrl.u32 v4, $0x8;
	v6 =	vshrl.u32 v3, $0x6;
	v7 =	vshll.u32 v3, $0x1A  }
0x2f: {  	v8 =	vshll.u32 v4, $0x18;
	v2 =	vadd.s32 v2, v3;
	v3 =	vor.u32 v6, v7  }
0x30: {  	v1 =	vadd.s32 v1, v4;
	v4 =	vor.u32 v5, v8;
	v3 =	vxor.u32 v3, v2  }
0x31: {  	v4 =	vxor.u32 v4, v1;
	v5 =	vshrl.u32 v3, $0x1A;
	v6 =	vshll.u32 v3, $0x6  }
0x32: {  	v4 =	vadd.s32 $0x2, v4;
	v2 =	vadd.s32 v2, v3;
	v3 =	vor.u32 v5, v6  }
0x33: {  	v1 =	vadd.s32 v4, v1;
	v3 =	vxor.u32 v3, v2  }
0x34: {  	v1 =	vadd.s32 $0x1BD11BF0, v1;
	v5 =	vshrl.u32 v4, $0x13;
	v3 =	vadd.s32 $0x2D, v3  }
0x35: {  	v4 =	vshll.u32 v4, $0xD;
	v6 =	vshrl.u32 v3, $0xF;
	v7 =	vshll.u32 v3, $0x11  }
0x36: {  	v4 =	vor.u32 v5, v4;
	v2 =	vadd.s32 v2, v3;
	v3 =	vor.u32 v6, v7  }
0x37: {  	v4 =	vxor.u32 v4, v1;
	v3 =	vxor.u32 v3, v2  }
0x38: {  	v5 =	vshrl.u32 v4, $0x11;
	v6 =	vshrl.u32 v3, $0x3;
	v7 =	vshll.u32 v3, $0x1D  }
0x39: {  	v8 =	vshll.u32 v4, $0xF;
	v2 =	vadd.s32 v2, v3;
	v3 =	vor.u32 v6, v7  }
0x3a: {  	v1 =	vadd.s32 v1, v4;
	v5 =	vor.u32 v5, v8;
	v3 =	vxor.u32 v3, v2  }
0x3b: {  	v4 =	vxor.u32 v5, v1;
	v5 =	vshrl.u32 v3, $0x10;
	v6 =	vshll.u32 v3, $0x10  }
0x3c: {  	v1 =	vadd.s32 v1, v4;
	v2 =	vadd.s32 v2, v3;
	v3 =	vor.u32 v5, v6  }
0x3d: {  	v7 =	vshrl.u32 v4, $0x6;
	v5 =	vshll.u32 v4, $0x1A;
	v3 =	vxor.u32 v3, v2  }
0x3e: {  	v4 =	vor.u32 v7, v5;
	v5 =	vshrl.u32 v3, $0x8;
	v6 =	vshll.u32 v3, $0x18  }
0x3f: {  	v4 =	vxor.u32 v4, v1;
	v2 =	vadd.s32 v2, v3;
	v3 =	vor.u32 v5, v6  }
0x40: {  	v5 =	vshrl.u32 v4, $0x1A;
	v6 =	vshll.u32 v4, $0x6;
	v3 =	vxor.u32 v3, v2  }
0x41: {  	v1 =	vadd.s32 v1, v4;
	v4 =	vor.u32 v5, v6;
	v3 =	vadd.s32 $0x1BD11BF4, v3  }
0x42: {  	v4 =	vxor.u32 v4, v1;
	v2 =	vadd.s32 v3, v2  }
0x43: {  	v5 =	vshrl.u32 v3, $0x13;
	v3 =	vshll.u32 v3, $0xD;
	v4 =	vadd.s32 $0x2D, v4  }
0x44: {  	v2 =	vadd.s32 $0x2A, v2;
	v3 =	vor.u32 v5, v3;
	v5 =	vshrl.u32 v4, $0xF  }
0x45: {  	v7 =	vshll.u32 v4, $0x11;
	v1 =	vadd.s32 v1, v4;
	v3 =	vxor.u32 v3, v2  }
0x46: {  	v4 =	vor.u32 v5, v7;
	v6 =	vshrl.u32 v3, $0x11;
	v8 =	vshll.u32 v3, $0xF  }
0x47: {  	v2 =	vadd.s32 v2, v3;
	v4 =	vxor.u32 v4, v1;
	v3 =	vor.u32 v6, v8  }
0x48: {  	v5 =	vshrl.u32 v4, $0x3;
	v6 =	vshll.u32 v4, $0x1D;
	v3 =	vxor.u32 v3, v2  }
0x49: {  	v1 =	vadd.s32 v1, v4;
	v4 =	vor.u32 v5, v6;
	v7 =	vshrl.u32 v3, $0x6  }
0x4a: {  	v5 =	vshll.u32 v3, $0x1A;
	v2 =	vadd.s32 v2, v3;
	v3 =	vxor.u32 v4, v1  }
0x4b: {  	v4 =	vor.u32 v7, v5;
	v5 =	vshrl.u32 v3, $0x10;
	v6 =	vshll.u32 v3, $0x10  }
0x4c: {  	v1 =	vadd.s32 v1, v3;
	v4 =	vxor.u32 v4, v2;
	v5 =	vor.u32 v5, v6  }
0x4d: {  	v3 =	vshrl.u32 v4, $0x1A;
	v6 =	vshll.u32 v4, $0x6;
	v5 =	vxor.u32 v5, v1  }
0x4e: {  	v2 =	vadd.s32 v2, v4;
	v4 =	vshrl.u32 v5, $0x8;
	v7 =	vshll.u32 v5, $0x18  }
0x4f: {  	s11 =	sadd.s32 $0x10, s3;
	v3 =	vor.u32 v3, v6;
	v5 =	vadd.s32 v1, v5;
	v1 =	vor.u32 v4, v7  }
0x50: {  	v6 =	vmov s11;
	v3 =	vxor.u32 v3, v2;
	v1 =	vxor.u32 v1, v5  }
0x51: {  	v2 =	vadd.s32 $0x1BD11BF0, v2;
	v3 =	vadd.s32 $0x5, v3;
	v4 =	vadd.s32 $0x1BD11BF4, v1  }
0x52: {  	v1 =	vxor.u32 v2, v3;
	v3 =	vshll.u32 v6, $0x1;
	v2 =	vadd.s32 v4, v5  }
0x53: {  	v5 =	vshrl.u32 v4, $0x13;
	v4 =	vshll.u32 v4, $0xD;
	v3 =	vor.u32 v0, v3  }
0x54: {  	v2 =	vadd.s32 $0x2A, v2;
	v4 =	vor.u32 v5, v4;
	v5 =	vadd.s32 $0x2B, v3  }
0x55: {  	v3 =	vadd.s32 $0x2A, v3;
	v6 =	vshrl.u32 v5, $0x13;
	v7 =	vshll.u32 v5, $0xD  }
0x56: {  	v8 =	vshrl.u32 v3, $0x13;
	v9 =	vshll.u32 v3, $0xD;
	v6 =	vor.u32 v6, v7  }
0x57: {  	v4 =	vxor.u32 v4, v2;
	v7 =	vor.u32 v8, v9;
	v6 =	vxor.u32 v5, v6  }
0x58: {  	v27 =	vshll.u32 v4, $0xF;
	v8 =	vshrl.u32 v6, $0x11;
	v22 =	vshll.u32 v6, $0xF  }
0x59: {  	v7 =	vxor.u32 v3, v7;
	v5 =	vadd.s32 v5, v6;
	v6 =	vor.u32 v8, v22  }
0x5a: {  	v10 =	vshrl.u32 v7, $0x11;
	v3 =	vadd.s32 v3, v7;
	v6 =	vxor.u32 v6, v5  }
0x5b: {  	v7 =	vshll.u32 v7, $0xF;
	v8 =	vshrl.u32 v6, $0x6;
	v23 =	vshll.u32 v6, $0x1A  }
0x5c: {  	v7 =	vor.u32 v10, v7;
	v5 =	vadd.s32 v5, v6;
	v6 =	vor.u32 v8, v23  }
0x5d: {  	v2 =	vadd.s32 v2, v4;
	v7 =	vxor.u32 v7, v3;
	v6 =	vxor.u32 v6, v5  }
0x5e: {  	v24 =	vshll.u32 v7, $0x1A;
	v25 =	vshrl.u32 v6, $0x1A;
	v26 =	vshll.u32 v6, $0x6  }
0x5f: {  	v8 =	vshrl.u32 v7, $0x6;
	v5 =	vadd.s32 v5, v6;
	v6 =	vor.u32 v25, v26  }
0x60: {  	v3 =	vadd.s32 v3, v7;
	v8 =	vor.u32 v8, v24;
	v6 =	vxor.u32 v6, v5  }
0x61: {  	v7 =	vshrl.u32 v4, $0x11;
	v8 =	vxor.u32 v8, v3;
	v6 =	vadd.s32 $0x1BD11BF1, v6  }
0x62: {  	v5 =	vadd.s32 v6, v5;
	v11 =	vshrl.u32 v6, $0xF;
	v6 =	vshll.u32 v6, $0x11  }
0x63: {  	v28 =	vshrl.u32 v8, $0x1A;
	v5 =	vadd.s32 $0x2A, v5;
	v6 =	vor.u32 v11, v6  }
0x64: {  	v12 =	vshll.u32 v8, $0x6;
	v3 =	vadd.s32 v3, v8;
	v6 =	vxor.u32 v6, v5  }
0x65: {  	v29 =	vor.u32 v28, v12;
	v8 =	vshrl.u32 v6, $0x3;
	v30 =	vshll.u32 v6, $0x1D  }
0x66: {  	v9 =	vxor.u32 v29, v3;
	v5 =	vadd.s32 v5, v6;
	v6 =	vor.u32 v8, v30  }
0x67: {  	v7 =	vor.u32 v7, v27;
	v4 =	vadd.s32 $0x1BD11BF1, v9;
	v6 =	vxor.u32 v6, v5  }
0x68: {  	v3 =	vadd.s32 v4, v3;
	v8 =	vshrl.u32 v6, $0x10;
	v31 =	vshll.u32 v6, $0x10  }
0x69: {  	v32 =	vshrl.u32 v4, $0xF;
	v5 =	vadd.s32 v5, v6;
	v6 =	vor.u32 v8, v31  }
0x6a: {  	v4 =	vshll.u32 v4, $0x11;
	v3 =	vadd.s32 $0x2A, v3;
	v6 =	vxor.u32 v6, v5  }
0x6b: {  	v4 =	vor.u32 v32, v4;
	v8 =	vshrl.u32 v6, $0x8;
	v33 =	vshll.u32 v6, $0x18  }
0x6c: {  	v4 =	vxor.u32 v4, v3;
	v5 =	vadd.s32 v5, v6;
	v6 =	vor.u32 v8, v33  }
0x6d: {  	v34 =	vshll.u32 v4, $0x1D;
	v8 =	vshrl.u32 v4, $0x3;
	v6 =	vxor.u32 v6, v5  }
0x6e: {  	v3 =	vadd.s32 v3, v4;
	v4 =	vor.u32 v8, v34;
	v6 =	vadd.s32 $0x2, v6  }
0x6f: {  	v5 =	vadd.s32 v6, v5;
	v8 =	vshrl.u32 v6, $0x13;
	v6 =	vshll.u32 v6, $0xD  }
0x70: {  	v4 =	vxor.u32 v4, v3;
	v5 =	vadd.s32 $0x1BD11BF0, v5;
	v6 =	vor.u32 v8, v6  }
0x71: {  	v35 =	vshll.u32 v4, $0x10;
	v3 =	vadd.s32 v3, v4;
	v6 =	vxor.u32 v6, v5  }
0x72: {  	v8 =	vshrl.u32 v4, $0x10;
	v36 =	vshrl.u32 v6, $0x11;
	v37 =	vshll.u32 v6, $0xF  }
0x73: {  	v8 =	vor.u32 v8, v35;
	v4 =	vadd.s32 v5, v6;
	v5 =	vor.u32 v36, v37  }
0x74: {  	v6 =	vxor.u32 v7, v2;
	v7 =	vxor.u32 v8, v3;
	v5 =	vxor.u32 v5, v4  }
0x75: {  	v8 =	vshrl.u32 v7, $0x8;
	v38 =	vshrl.u32 v5, $0x6;
	v39 =	vshll.u32 v5, $0x1A  }
0x76: {  	v40 =	vshll.u32 v7, $0x18;
	v4 =	vadd.s32 v4, v5;
	v5 =	vor.u32 v38, v39  }
0x77: {  	v3 =	vadd.s32 v3, v7;
	v7 =	vor.u32 v8, v40;
	v5 =	vxor.u32 v5, v4  }
0x78: {  	v7 =	vxor.u32 v7, v3;
	v8 =	vshrl.u32 v5, $0x1A;
	v41 =	vshll.u32 v5, $0x6  }
0x79: {  	v7 =	vadd.s32 $0x2, v7;
	v4 =	vadd.s32 v4, v5;
	v5 =	vor.u32 v8, v41  }
0x7a: {  	v45 =	vshll.u32 v6, $0x1A;
	v3 =	vadd.s32 v7, v3;
	v5 =	vxor.u32 v5, v4  }
0x7b: {  	v42 =	vshrl.u32 v7, $0x13;
	v7 =	vshll.u32 v7, $0xD;
	v5 =	vadd.s32 $0x2D, v5  }
0x7c: {  	v3 =	vadd.s32 $0x1BD11BF0, v3;
	v43 =	vshrl.u32 v5, $0xF;
	v44 =	vshll.u32 v5, $0x11  }
0x7d: {  	v7 =	vor.u32 v42, v7;
	v4 =	vadd.s32 v4, v5;
	v5 =	vor.u32 v43, v44  }
0x7e: {  	v2 =	vadd.s32 v2, v6;
	v7 =	vxor.u32 v7, v3;
	v5 =	vxor.u32 v5, v4  }
0x7f: {  	v8 =	vshrl.u32 v6, $0x6;
	v46 =	vshrl.u32 v7, $0x11;
	v47 =	vshrl.u32 v5, $0x3  }
0x80: {  	v48 =	vshll.u32 v5, $0x1D;
	v4 =	vadd.s32 v4, v5;
	v5 =	vshll.u32 v7, $0xF  }
0x81: {  	v3 =	vadd.s32 v3, v7;
	v11 =	vor.u32 v47, v48;
	v5 =	vor.u32 v46, v5  }
0x82: {  	v8 =	vor.u32 v8, v45;
	v7 =	vxor.u32 v11, v4;
	v5 =	vxor.u32 v5, v3  }
0x83: {  	v49 =	vshrl.u32 v7, $0x10;
	v11 =	vshll.u32 v7, $0x10;
	v50 =	vshrl.u32 v5, $0x6  }
0x84: {  	v4 =	vadd.s32 v4, v7;
	v51 =	vshll.u32 v5, $0x1A;
	v7 =	vor.u32 v49, v11  }
0x85: {  	v3 =	vadd.s32 v3, v5;
	v5 =	vxor.u32 v7, v4;
	v7 =	vor.u32 v50, v51  }
0x86: {  	v52 =	vshrl.u32 v5, $0x8;
	v53 =	vshll.u32 v5, $0x18;
	v7 =	vxor.u32 v7, v3  }
0x87: {  	v4 =	vadd.s32 v4, v5;
	v5 =	vor.u32 v52, v53;
	v54 =	vshrl.u32 v7, $0x1A  }
0x88: {  	v3 =	vadd.s32 v3, v7;
	v7 =	vshll.u32 v7, $0x6;
	v5 =	vxor.u32 v5, v4  }
0x89: {  	v8 =	vxor.u32 v8, v2;
	v7 =	vor.u32 v54, v7;
	v5 =	vadd.s32 $0x1BD11BF4, v5  }
0x8a: {  	v4 =	vadd.s32 v5, v4;
	v55 =	vshrl.u32 v5, $0x13;
	v5 =	vshll.u32 v5, $0xD  }
0x8b: {  	v6 =	vxor.u32 v7, v3;
	v4 =	vadd.s32 $0x2A, v4;
	v5 =	vor.u32 v55, v5  }
0x8c: {  	v2 =	vadd.s32 v2, v8;
	v6 =	vadd.s32 $0x2D, v6;
	v5 =	vxor.u32 v5, v4  }
0x8d: {  	v57 =	vshrl.u32 v6, $0xF;
	v7 =	vshrl.u32 v5, $0x11;
	v56 =	vshll.u32 v5, $0xF  }
0x8e: {  	v4 =	vadd.s32 v4, v5;
	v5 =	vor.u32 v7, v56;
	v7 =	vshll.u32 v6, $0x11  }
0x8f: {  	v3 =	vadd.s32 v3, v6;
	v5 =	vxor.u32 v5, v4;
	v6 =	vor.u32 v57, v7  }
0x90: {  	v7 =	vshrl.u32 v5, $0x6;
	v58 =	vshll.u32 v5, $0x1A;
	v6 =	vxor.u32 v6, v3  }
0x91: {  	v4 =	vadd.s32 v4, v5;
	v5 =	vor.u32 v7, v58;
	v7 =	vshrl.u32 v6, $0x3  }
0x92: {  	v59 =	vshll.u32 v6, $0x1D;
	v3 =	vadd.s32 v3, v6;
	v5 =	vxor.u32 v5, v4  }
0x93: {  	v6 =	vor.u32 v7, v59;
	v7 =	vshrl.u32 v5, $0x1A;
	v60 =	vshll.u32 v5, $0x6  }
0x94: {  	v6 =	vxor.u32 v6, v3;
	v4 =	vadd.s32 v4, v5;
	v5 =	vor.u32 v7, v60  }
0x95: {  	v7 =	vshrl.u32 v6, $0x10;
	v61 =	vshll.u32 v6, $0x10;
	v3 =	vadd.s32 v3, v6  }
0x96: {  	v6 =	vshrl.u32 v8, $0x1A;
	v8 =	vshll.u32 v8, $0x6;
	v7 =	vor.u32 v7, v61  }
0x97: {  	v5 =	vxor.u32 v5, v4;
	v4 =	vadd.s32 $0x1BD11BF0, v4;
	v7 =	vxor.u32 v7, v3  }
0x98: {  	v6 =	vor.u32 v6, v8;
	v62 =	vshrl.u32 v7, $0x8;
	v63 =	vshll.u32 v7, $0x18  }
0x99: {  	v5 =	vadd.s32 $0x5, v5;
	v7 =	vadd.s32 v3, v7;
	v3 =	vor.u32 v62, v63  }
0x9a: {  	s10 =	simm.s32 $0x0;
	v4 =	vxor.u32 v4, v5;
	v5 =	vxor.u32 v6, v2;
	v3 =	vxor.u32 v3, v7  }
0x9b: {  	s14 =	simm.s32 $0x10;
	s12 =	sadd.s32 $0x10, s11;
	[tilespmem:s10+$0x200] =	vst v1;
	v1 =	vadd.s32 $0x1BD11BF0, v2;
	v2 =	vadd.s32 $0x5, v5;
	v3 =	vadd.s32 $0x1BD11BF4, v3  }
0x9c: {  	s13 =	simm.s32 $0xC0;
	s11 =	simm.s32 $0x80;
	[tilespmem:s14+$0x200] =	vst v4;
	v5 =	vmov s12;
	v6 =	vadd.s32 v3, v7;
	v4 =	vshrl.u32 v3, $0x13  }
.LBB2_2:
0x9d: {  	p0 =	sne.s32 s13, $0x7C0;
	v5 =	vshll.u32 v5, $0x1;
	v6 =	vadd.s32 $0x2A, v6;
	v3 =	vshll.u32 v3, $0xD  }
0x9e: {  	v1 =	vxor.u32 v1, v2;
	v5 =	vor.u32 v0, v5;
	v3 =	vor.u32 v4, v3  }
0x9f: {  	v2 =	vadd.s32 $0x2A, v5;
	v4 =	vadd.s32 $0x2B, v5;
	v3 =	vxor.u32 v3, v6;
	[tilespmem:s10+$0x0] =	vst v1;
	s10 =	smov.u32 s14  }
0xa0: {  	v1 =	vshrl.u32 v2, $0x13;
	v5 =	vshrl.u32 v4, $0x13;
	v7 =	vshll.u32 v4, $0xD  }
0xa1: {  	v8 =	vshll.u32 v2, $0xD;
	v5 =	vor.u32 v5, v7;
	v7 =	vshrl.u32 v3, $0x11  }
0xa2: {  	v1 =	vor.u32 v1, v8;
	v8 =	vshll.u32 v3, $0xF;
	v5 =	vxor.u32 v4, v5  }
0xa3: {  	v1 =	vxor.u32 v2, v1;
	v9 =	vshrl.u32 v5, $0x11;
	v10 =	vshll.u32 v5, $0xF  }
0xa4: {  	v11 =	vshrl.u32 v1, $0x11;
	v4 =	vadd.s32 v4, v5;
	v5 =	vor.u32 v9, v10  }
0xa5: {  	v2 =	vadd.s32 v2, v1;
	v1 =	vshll.u32 v1, $0xF;
	v5 =	vxor.u32 v5, v4  }
0xa6: {  	v1 =	vor.u32 v11, v1;
	v9 =	vshrl.u32 v5, $0x6;
	v10 =	vshll.u32 v5, $0x1A  }
0xa7: {  	v1 =	vxor.u32 v1, v2;
	v4 =	vadd.s32 v4, v5;
	v5 =	vor.u32 v9, v10  }
0xa8: {  	v9 =	vshrl.u32 v1, $0x6;
	v10 =	vshll.u32 v1, $0x1A;
	v5 =	vxor.u32 v5, v4  }
0xa9: {  	v9 =	vor.u32 v9, v10;
	v10 =	vshrl.u32 v5, $0x1A;
	v11 =	vshll.u32 v5, $0x6  }
0xaa: {  	v1 =	vadd.s32 v2, v1;
	v2 =	vadd.s32 v4, v5;
	v4 =	vor.u32 v10, v11  }
0xab: {  	v7 =	vor.u32 v7, v8;
	v5 =	vxor.u32 v9, v1;
	v4 =	vxor.u32 v4, v2  }
0xac: {  	v8 =	vshrl.u32 v5, $0x1A;
	v9 =	vshll.u32 v5, $0x6;
	v4 =	vadd.s32 $0x1BD11BF1, v4  }
0xad: {  	v2 =	vadd.s32 v4, v2;
	v10 =	vshrl.u32 v4, $0xF;
	v4 =	vshll.u32 v4, $0x11  }
0xae: {  	v8 =	vor.u32 v8, v9;
	v2 =	vadd.s32 $0x2A, v2;
	v4 =	vor.u32 v10, v4  }
0xaf: {  	v5 =	vadd.s32 v1, v5;
	v1 =	vadd.s32 v6, v3;
	v4 =	vxor.u32 v4, v2  }
0xb0: {  	v3 =	vxor.u32 v8, v5;
	v6 =	vshrl.u32 v4, $0x3;
	v8 =	vshll.u32 v4, $0x1D  }
0xb1: {  	v3 =	vadd.s32 $0x1BD11BF1, v3;
	v2 =	vadd.s32 v2, v4;
	v4 =	vor.u32 v6, v8  }
0xb2: {  	v5 =	vadd.s32 v3, v5;
	v6 =	vshrl.u32 v3, $0xF;
	v4 =	vxor.u32 v4, v2  }
0xb3: {  	v3 =	vshll.u32 v3, $0x11;
	v8 =	vshrl.u32 v4, $0x10;
	v9 =	vshll.u32 v4, $0x10  }
0xb4: {  	v5 =	vadd.s32 $0x2A, v5;
	v2 =	vadd.s32 v2, v4;
	v4 =	vor.u32 v8, v9  }
0xb5: {  	v3 =	vor.u32 v6, v3;
	v6 =	vxor.u32 v7, v1;
	v4 =	vxor.u32 v4, v2  }
0xb6: {  	v3 =	vxor.u32 v3, v5;
	v7 =	vshrl.u32 v4, $0x8;
	v8 =	vshll.u32 v4, $0x18  }
0xb7: {  	v9 =	vshrl.u32 v3, $0x3;
	v2 =	vadd.s32 v2, v4;
	v4 =	vor.u32 v7, v8  }
0xb8: {  	v5 =	vadd.s32 v5, v3;
	v3 =	vshll.u32 v3, $0x1D;
	v4 =	vxor.u32 v4, v2  }
0xb9: {  	v3 =	vor.u32 v9, v3;
	v7 =	vshrl.u32 v6, $0x6;
	v4 =	vadd.s32 $0x2, v4  }
0xba: {  	v2 =	vadd.s32 v4, v2;
	v8 =	vshrl.u32 v4, $0x13;
	v4 =	vshll.u32 v4, $0xD  }
0xbb: {  	v3 =	vxor.u32 v3, v5;
	v2 =	vadd.s32 $0x1BD11BF0, v2;
	v4 =	vor.u32 v8, v4  }
0xbc: {  	v9 =	vshll.u32 v3, $0x10;
	v8 =	vshrl.u32 v3, $0x10;
	v4 =	vxor.u32 v4, v2  }
0xbd: {  	v8 =	vor.u32 v8, v9;
	v9 =	vshrl.u32 v4, $0x11;
	v10 =	vshll.u32 v4, $0xF  }
0xbe: {  	v3 =	vadd.s32 v5, v3;
	v2 =	vadd.s32 v2, v4;
	v4 =	vor.u32 v9, v10  }
0xbf: {  	v5 =	vxor.u32 v8, v3;
	v8 =	vshll.u32 v6, $0x1A;
	v4 =	vxor.u32 v4, v2  }
0xc0: {  	v9 =	vshrl.u32 v5, $0x8;
	v10 =	vshrl.u32 v4, $0x6;
	v11 =	vshll.u32 v4, $0x1A  }
0xc1: {  	v12 =	vshll.u32 v5, $0x18;
	v2 =	vadd.s32 v2, v4;
	v4 =	vor.u32 v10, v11  }
0xc2: {  	v3 =	vadd.s32 v3, v5;
	v5 =	vor.u32 v9, v12;
	v4 =	vxor.u32 v4, v2  }
0xc3: {  	v5 =	vxor.u32 v5, v3;
	v9 =	vshrl.u32 v4, $0x1A;
	v10 =	vshll.u32 v4, $0x6  }
0xc4: {  	v5 =	vadd.s32 $0x2, v5;
	v2 =	vadd.s32 v2, v4;
	v4 =	vor.u32 v9, v10  }
0xc5: {  	v3 =	vadd.s32 v5, v3;
	v9 =	vshrl.u32 v5, $0x13;
	v4 =	vxor.u32 v4, v2  }
0xc6: {  	v3 =	vadd.s32 $0x1BD11BF0, v3;
	v5 =	vshll.u32 v5, $0xD;
	v4 =	vadd.s32 $0x2D, v4  }
0xc7: {  	v5 =	vor.u32 v9, v5;
	v9 =	vshrl.u32 v4, $0xF;
	v10 =	vshll.u32 v4, $0x11  }
0xc8: {  	v5 =	vxor.u32 v5, v3;
	v2 =	vadd.s32 v2, v4;
	v4 =	vor.u32 v9, v10  }
0xc9: {  	v9 =	vshrl.u32 v5, $0x11;
	v10 =	vshll.u32 v5, $0xF;
	v4 =	vxor.u32 v4, v2  }
0xca: {  	v9 =	vor.u32 v9, v10;
	v10 =	vshrl.u32 v4, $0x3;
	v11 =	vshll.u32 v4, $0x1D  }
0xcb: {  	v3 =	vadd.s32 v3, v5;
	v2 =	vadd.s32 v2, v4;
	v4 =	vor.u32 v10, v11  }
0xcc: {  	v7 =	vor.u32 v7, v8;
	v5 =	vxor.u32 v9, v3;
	v4 =	vxor.u32 v4, v2  }
0xcd: {  	v8 =	vshrl.u32 v5, $0x6;
	v9 =	vshrl.u32 v4, $0x10;
	v10 =	vshll.u32 v4, $0x10  }
0xce: {  	v11 =	vshll.u32 v5, $0x1A;
	v2 =	vadd.s32 v2, v4;
	v4 =	vor.u32 v9, v10  }
0xcf: {  	v3 =	vadd.s32 v3, v5;
	v5 =	vor.u32 v8, v11;
	v4 =	vxor.u32 v4, v2  }
0xd0: {  	v5 =	vxor.u32 v5, v3;
	v8 =	vshrl.u32 v4, $0x8;
	v9 =	vshll.u32 v4, $0x18  }
0xd1: {  	v10 =	vshrl.u32 v5, $0x1A;
	v2 =	vadd.s32 v2, v4;
	v4 =	vor.u32 v8, v9  }
0xd2: {  	v3 =	vadd.s32 v3, v5;
	v5 =	vshll.u32 v5, $0x6;
	v4 =	vxor.u32 v4, v2  }
0xd3: {  	v1 =	vadd.s32 v1, v6;
	v5 =	vor.u32 v10, v5;
	v4 =	vadd.s32 $0x1BD11BF4, v4  }
0xd4: {  	v2 =	vadd.s32 v4, v2;
	v6 =	vshrl.u32 v4, $0x13;
	v4 =	vshll.u32 v4, $0xD  }
0xd5: {  	v5 =	vxor.u32 v5, v3;
	v2 =	vadd.s32 $0x2A, v2;
	v4 =	vor.u32 v6, v4  }
0xd6: {  	v5 =	vadd.s32 $0x2D, v5;
	v6 =	vxor.u32 v7, v1;
	v4 =	vxor.u32 v4, v2  }
0xd7: {  	v7 =	vshrl.u32 v5, $0xF;
	v8 =	vshrl.u32 v4, $0x11;
	v9 =	vshll.u32 v4, $0xF  }
0xd8: {  	v10 =	vshll.u32 v5, $0x11;
	v2 =	vadd.s32 v2, v4;
	v4 =	vor.u32 v8, v9  }
0xd9: {  	v3 =	vadd.s32 v3, v5;
	v5 =	vor.u32 v7, v10;
	v4 =	vxor.u32 v4, v2  }
0xda: {  	v5 =	vxor.u32 v5, v3;
	v7 =	vshrl.u32 v4, $0x6;
	v8 =	vshll.u32 v4, $0x1A  }
0xdb: {  	v9 =	vshrl.u32 v5, $0x3;
	v2 =	vadd.s32 v2, v4;
	v4 =	vor.u32 v7, v8  }
0xdc: {  	v3 =	vadd.s32 v3, v5;
	v5 =	vshll.u32 v5, $0x1D;
	v4 =	vxor.u32 v4, v2  }
0xdd: {  	v5 =	vor.u32 v9, v5;
	v7 =	vshrl.u32 v4, $0x1A;
	v8 =	vshll.u32 v4, $0x6  }
0xde: {  	v5 =	vxor.u32 v5, v3;
	v2 =	vadd.s32 v2, v4;
	v4 =	vor.u32 v7, v8  }
0xdf: {  	v7 =	vshrl.u32 v5, $0x10;
	v8 =	vshll.u32 v5, $0x10;
	v4 =	vxor.u32 v4, v2  }
0xe0: {  	v7 =	vor.u32 v7, v8;
	v2 =	vadd.s32 $0x1BD11BF0, v2;
	v4 =	vadd.s32 $0x5, v4  }
0xe1: {  	s14 =	sshra.s32 s11, $0x2;
	s11 =	smov.u32 s13;
	v3 =	vadd.s32 v3, v5;
	v2 =	vxor.u32 v2, v4;
	v4 =	vshrl.u32 v6, $0x1A  }
0xe2: {  	v5 =	vxor.u32 v7, v3;
	[tilespmem:s14+$0x200] =	vst v2;
	v2 =	vadd.s32 v1, v6;
	v1 =	vshll.u32 v6, $0x6  }
.Ltmp0:
0xe3: {  	v6 =	vadd.s32 v3, v5;
	v3 =	vshrl.u32 v5, $0x8;
	v5 =	vshll.u32 v5, $0x18;
	(pc) =	sbr.rel @p0 .LBB2_2-.Ltmp0, $4  }
0xe4: {  	v3 =	vor.u32 v3, v5;
	v4 =	vor.u32 v4, v1;
	v1 =	vadd.s32 $0x1BD11BF0, v2  }
0xe5: {  	v3 =	vxor.u32 v3, v6;
	v2 =	vxor.u32 v4, v2  }
0xe6: {  	s12 =	sadd.s32 $0x10, s12;
	v3 =	vadd.s32 $0x1BD11BF4, v3;
	v2 =	vadd.s32 $0x5, v2  }
0xe7: {  	s13 =	sadd.s32 $0x40, s13;
	v5 =	vmov s12;
	v6 =	vadd.s32 v3, v6;
	v4 =	vshrl.u32 v3, $0x13  }
0xe8: {  	v5 =	vshll.u32 v5, $0x1  }
0xe9: {  	v5 =	vor.u32 v0, v5  }
0xea: {  	v6 =	vadd.s32 $0x2A, v6;
	v1 =	vxor.u32 v1, v2;
	v2 =	vadd.s32 $0x2B, v5  }
0xeb: {  	v13 =	vadd.s32 $0x2A, v5;
	v14 =	vshrl.u32 v2, $0x13;
	v7 =	vshll.u32 v2, $0xD  }
0xec: {  	v8 =	vshrl.u32 v13, $0x13;
	v9 =	vshll.u32 v13, $0xD;
	v5 =	vor.u32 v14, v7  }
0xed: {  	v3 =	vshll.u32 v3, $0xD;
	v15 =	vor.u32 v8, v9;
	v5 =	vxor.u32 v2, v5  }
0xee: {  	v3 =	vor.u32 v4, v3;
	v7 =	vxor.u32 v13, v15;
	v16 =	vshrl.u32 v5, $0x11  }
0xef: {  	v17 =	vshll.u32 v5, $0xF;
	v10 =	vshrl.u32 v7, $0x11;
	v2 =	vadd.s32 v2, v5  }
0xf0: {  	v4 =	vadd.s32 v13, v7;
	v7 =	vshll.u32 v7, $0xF;
	v18 =	vor.u32 v16, v17  }
0xf1: {  	v3 =	vxor.u32 v3, v6;
	v7 =	vor.u32 v10, v7;
	v5 =	vxor.u32 v18, v2  }
0xf2: {  	v7 =	vxor.u32 v7, v4;
	v19 =	vshrl.u32 v5, $0x6;
	v20 =	vshll.u32 v5, $0x1A  }
0xf3: {  	v2 =	vadd.s32 v2, v5;
	v22 =	vshrl.u32 v7, $0x6;
	v21 =	vor.u32 v19, v20  }
0xf4: {  	v23 =	vshll.u32 v7, $0x1A;
	v4 =	vadd.s32 v4, v7;
	v5 =	vxor.u32 v21, v2  }
0xf5: {  	v8 =	vor.u32 v22, v23;
	v24 =	vshrl.u32 v5, $0x1A;
	v25 =	vshll.u32 v5, $0x6  }
0xf6: {  	v8 =	vxor.u32 v8, v4;
	v2 =	vadd.s32 v2, v5;
	v26 =	vor.u32 v24, v25  }
0xf7: {  	v27 =	vshrl.u32 v3, $0x11;
	v29 =	vshrl.u32 v8, $0x1A;
	v5 =	vxor.u32 v26, v2  }
0xf8: {  	v12 =	vshll.u32 v8, $0x6;
	v4 =	vadd.s32 v4, v8;
	v5 =	vadd.s32 $0x1BD11BF1, v5  }
0xf9: {  	v2 =	vadd.s32 v5, v2;
	v11 =	vshrl.u32 v5, $0xF;
	v5 =	vshll.u32 v5, $0x11  }
0xfa: {  	v30 =	vor.u32 v29, v12;
	v2 =	vadd.s32 $0x2A, v2;
	v5 =	vor.u32 v11, v5  }
0xfb: {  	v28 =	vshll.u32 v3, $0xF;
	v9 =	vxor.u32 v30, v4;
	v5 =	vxor.u32 v5, v2  }
0xfc: {  	v31 =	vshrl.u32 v5, $0x3;
	v32 =	vshll.u32 v5, $0x1D;
	v5 =	vadd.s32 v2, v5  }
0xfd: {  	v2 =	vadd.s32 v6, v3;
	v3 =	vadd.s32 $0x1BD11BF1, v9;
	v8 =	vor.u32 v31, v32  }
0xfe: {  	v4 =	vadd.s32 v3, v4;
	v35 =	vshrl.u32 v3, $0xF;
	v3 =	vshll.u32 v3, $0x11  }
0xff: {  	v33 =	vxor.u32 v8, v5;
	v4 =	vadd.s32 $0x2A, v4;
	v3 =	vor.u32 v35, v3  }
0x100: {  	v8 =	vshrl.u32 v33, $0x10;
	v34 =	vshll.u32 v33, $0x10;
	v3 =	vxor.u32 v3, v4  }
0x101: {  	v5 =	vadd.s32 v5, v33;
	v36 =	vor.u32 v8, v34;
	v40 =	vshrl.u32 v3, $0x3  }
0x102: {  	v41 =	vshll.u32 v3, $0x1D;
	v3 =	vadd.s32 v4, v3;
	v6 =	vxor.u32 v36, v5  }
0x103: {  	v42 =	vor.u32 v40, v41;
	v37 =	vshrl.u32 v6, $0x8;
	v38 =	vshll.u32 v6, $0x18  }
0x104: {  	v5 =	vadd.s32 v5, v6;
	v4 =	vxor.u32 v42, v3;
	v39 =	vor.u32 v37, v38  }
0x105: {  	v7 =	vor.u32 v27, v28;
	v44 =	vshrl.u32 v4, $0x10;
	v6 =	vxor.u32 v39, v5  }
0x106: {  	v45 =	vshll.u32 v4, $0x10;
	v3 =	vadd.s32 v3, v4;
	v6 =	vadd.s32 $0x2, v6  }
0x107: {  	v5 =	vadd.s32 v6, v5;
	v43 =	vshrl.u32 v6, $0x13;
	v6 =	vshll.u32 v6, $0xD  }
0x108: {  	v8 =	vor.u32 v44, v45;
	v5 =	vadd.s32 $0x1BD11BF0, v5;
	v6 =	vor.u32 v43, v6  }
0x109: {  	v50 =	vxor.u32 v7, v2;
	v51 =	vxor.u32 v8, v3;
	v6 =	vxor.u32 v6, v5  }
0x10a: {  	v8 =	vshrl.u32 v51, $0x8;
	v46 =	vshrl.u32 v6, $0x11;
	v47 =	vshll.u32 v6, $0xF  }
0x10b: {  	v54 =	vshll.u32 v51, $0x18;
	v48 =	vadd.s32 v5, v6;
	v49 =	vor.u32 v46, v47  }
0x10c: {  	v3 =	vadd.s32 v3, v51;
	v56 =	vor.u32 v8, v54;
	v5 =	vxor.u32 v49, v48  }
0x10d: {  	v7 =	vxor.u32 v56, v3;
	v52 =	vshrl.u32 v5, $0x6;
	v53 =	vshll.u32 v5, $0x1A  }
0x10e: {  	v7 =	vadd.s32 $0x2, v7;
	v4 =	vadd.s32 v48, v5;
	v55 =	vor.u32 v52, v53  }
0x10f: {  	v17 =	vshrl.u32 v50, $0x6;
	v3 =	vadd.s32 v7, v3;
	v5 =	vxor.u32 v55, v4  }
0x110: {  	v60 =	vshrl.u32 v7, $0x13;
	v57 =	vshrl.u32 v5, $0x1A;
	v58 =	vshll.u32 v5, $0x6  }
0x111: {  	v7 =	vshll.u32 v7, $0xD;
	v4 =	vadd.s32 v4, v5;
	v59 =	vor.u32 v57, v58  }
0x112: {  	v3 =	vadd.s32 $0x1BD11BF0, v3;
	v7 =	vor.u32 v60, v7;
	v5 =	vxor.u32 v59, v4  }
0x113: {  	v28 =	vshll.u32 v50, $0x1A;
	v7 =	vxor.u32 v7, v3;
	v5 =	vadd.s32 $0x2D, v5  }
0x114: {  	v12 =	vshrl.u32 v7, $0x11;
	v61 =	vshrl.u32 v5, $0xF;
	v62 =	vshll.u32 v5, $0x11  }
0x115: {  	v13 =	vshll.u32 v7, $0xF;
	v4 =	vadd.s32 v4, v5;
	v63 =	vor.u32 v61, v62  }
0x116: {  	v3 =	vadd.s32 v3, v7;
	v8 =	vor.u32 v12, v13;
	v5 =	vxor.u32 v63, v4  }
0x117: {  	v8 =	vxor.u32 v8, v3;
	v14 =	vshrl.u32 v5, $0x3;
	v15 =	vshll.u32 v5, $0x1D  }
0x118: {  	v18 =	vshrl.u32 v8, $0x6;
	v4 =	vadd.s32 v4, v5;
	v16 =	vor.u32 v14, v15  }
0x119: {  	v21 =	vshll.u32 v8, $0x1A;
	v3 =	vadd.s32 v3, v8;
	v5 =	vxor.u32 v16, v4  }
0x11a: {  	v23 =	vor.u32 v18, v21;
	v19 =	vshrl.u32 v5, $0x10;
	v20 =	vshll.u32 v5, $0x10  }
0x11b: {  	v8 =	vxor.u32 v23, v3;
	v4 =	vadd.s32 v4, v5;
	v22 =	vor.u32 v19, v20  }
0x11c: {  	v26 =	vshrl.u32 v8, $0x1A;
	v27 =	vshll.u32 v8, $0x6;
	v5 =	vxor.u32 v22, v4  }
0x11d: {  	v3 =	vadd.s32 v3, v8;
	v24 =	vshrl.u32 v5, $0x8;
	v25 =	vshll.u32 v5, $0x18  }
0x11e: {  	v4 =	vadd.s32 v4, v5;
	v5 =	vor.u32 v26, v27;
	v9 =	vor.u32 v24, v25  }
0x11f: {  	v2 =	vadd.s32 v2, v50;
	v5 =	vxor.u32 v5, v3;
	v9 =	vxor.u32 v9, v4  }
0x120: {  	v7 =	vor.u32 v17, v28;
	v5 =	vadd.s32 $0x2D, v5;
	v29 =	vadd.s32 $0x1BD11BF4, v9  }
0x121: {  	v30 =	vshrl.u32 v5, $0xF;
	v31 =	vshll.u32 v5, $0x11;
	v3 =	vadd.s32 v3, v5  }
0x122: {  	v4 =	vadd.s32 v29, v4;
	v32 =	vshrl.u32 v29, $0x13;
	v33 =	vor.u32 v30, v31  }
0x123: {  	v8 =	vshll.u32 v29, $0xD;
	v4 =	vadd.s32 $0x2A, v4;
	v5 =	vxor.u32 v33, v3  }
0x124: {  	v8 =	vor.u32 v32, v8;
	v34 =	vshrl.u32 v5, $0x3;
	v35 =	vshll.u32 v5, $0x1D  }
0x125: {  	v8 =	vxor.u32 v8, v4;
	v3 =	vadd.s32 v3, v5;
	v36 =	vor.u32 v34, v35  }
0x126: {  	v7 =	vxor.u32 v7, v2;
	v37 =	vshrl.u32 v8, $0x11;
	v5 =	vxor.u32 v36, v3  }
0x127: {  	v38 =	vshll.u32 v8, $0xF;
	v39 =	vshrl.u32 v5, $0x10;
	v40 =	vshll.u32 v5, $0x10  }
0x128: {  	v4 =	vadd.s32 v4, v8;
	v3 =	vadd.s32 v3, v5;
	v8 =	vor.u32 v39, v40  }
0x129: {  	v2 =	vadd.s32 v2, v7;
	v42 =	vxor.u32 v8, v3  }
0x12a: {  	v60 =	vshll.u32 v7, $0x6;
	v44 =	vshrl.u32 v42, $0x8;
	v45 =	vshll.u32 v42, $0x18  }
0x12b: {  	v9 =	vor.u32 v37, v38;
	v3 =	vadd.s32 v3, v42;
	v47 =	vor.u32 v44, v45  }
0x12c: {  	[tilespmem:s10+$0x0] =	vst v1;
	v1 =	vadd.s32 $0x1BD11BF0, v2;
	v41 =	vxor.u32 v9, v4;
	v6 =	vxor.u32 v47, v3  }
0x12d: {  	v59 =	vshrl.u32 v7, $0x1A;
	v43 =	vshrl.u32 v41, $0x6;
	v6 =	vadd.s32 $0x1BD11BF4, v6  }
0x12e: {  	v3 =	vadd.s32 v6, v3;
	v49 =	vshrl.u32 v6, $0x13;
	v6 =	vshll.u32 v6, $0xD  }
0x12f: {  	v46 =	vshll.u32 v41, $0x1A;
	v3 =	vadd.s32 $0x2A, v3;
	v6 =	vor.u32 v49, v6  }
0x130: {  	v4 =	vadd.s32 v4, v41;
	v48 =	vor.u32 v43, v46;
	v52 =	vxor.u32 v6, v3  }
0x131: {  	v5 =	vxor.u32 v48, v4;
	v54 =	vshrl.u32 v52, $0x11;
	v55 =	vshll.u32 v52, $0xF  }
0x132: {  	v50 =	vshrl.u32 v5, $0x1A;
	v3 =	vadd.s32 v3, v52;
	v8 =	vor.u32 v54, v55  }
0x133: {  	v51 =	vshll.u32 v5, $0x6;
	v4 =	vadd.s32 v4, v5;
	v57 =	vxor.u32 v8, v3  }
0x134: {  	v53 =	vor.u32 v50, v51;
	v58 =	vshrl.u32 v57, $0x6;
	v8 =	vshll.u32 v57, $0x1A  }
0x135: {  	v6 =	vxor.u32 v53, v4;
	v3 =	vadd.s32 v3, v57;
	v5 =	vor.u32 v58, v8  }
0x136: {  	v4 =	vadd.s32 $0x1BD11BF0, v4;
	v56 =	vadd.s32 $0x5, v6;
	v5 =	vxor.u32 v5, v3  }
0x137: {  	v6 =	vor.u32 v59, v60;
	v61 =	vshrl.u32 v5, $0x1A;
	v62 =	vshll.u32 v5, $0x6  }
0x138: {  	v6 =	vxor.u32 v6, v2;
	v3 =	vadd.s32 v3, v5;
	v63 =	vor.u32 v61, v62  }
0x139: {  	s31 =	sshra.s32 s11, $0x2;
	v4 =	vxor.u32 v4, v56;
	v2 =	vadd.s32 $0x5, v6;
	v5 =	vxor.u32 v63, v3  }
0x13a: {  	[tilespmem:s31+$0x200] =	vst v4;
	v1 =	vxor.u32 v1, v2;
	v2 =	vadd.s32 $0x1BD11BF0, v3;
	v3 =	vadd.s32 $0x5, v5  }
0x13b: {  	[tilespmem:s14+$0x0] =	vst v1;
	v1 =	vxor.u32 v2, v3  }
0x13c: {  	[tilespmem:s31+$0x0] =	vst v1  }
0x13d: {  	[hbm4b:s4+s2] =	stream.linear.scatter [tilespmem:s2], [sflag:$0x1], $0x200, $0x38;
	[tilespmem:$0x400] =	vst v63  }
0x13e: {  	s9 =	sadd.s32 $0x1, s9;
	_ =	swait.ge [sflag:s7], $0x200  }
0x13f: {  	p0 =	sne.s32 s9, s6;
	[sflag:s7] =	ssyncset.done $0x0  }
.Ltmp1:
0x140: {  	[sflag:s7] =	ssyncadd.s32 $0xFFFFFE00;
	(pc) =	sbr.rel @p0 .LBB2_1-.Ltmp1, $4  }
0x141: {  	[hbm4b:s5+s2] =	stream.linear.scatter [tilespmem:s8], [sflag:$0x1], $0x200, $0x38;
	[tilespmem:$0x400] =	vst v63  }
0x142: {  	_ =	swait.ge [sflag:s7], $0x200  }
0x143: {  	[sflag:s7] =	ssyncset.done $0x0  }
0x144: {  	[sflag:s7] =	ssyncadd.s32 $0xFFFFFE00  }
0x145: {  	_ =	sfence.sel $0x180000  }
0x146: {  	[bflag:$0x0] =	sbarrier.arrive $0xFFFF  }
0x147: {  	p0 =	sne.s32 s1, $0x0;
	_ =	strace $0x90000047  }
0x148: {  	s0 =	sadd.s32 @!p0 $0x100000, s0;
	[bflag:$0x2] =	sbarrier.arrive $0xFFFF  }
0x149: {  	[sflag:s0] =	ssyncadd.tile.s32 @!p0 $0x1;
	_ =	shalt  }
.Lfunc_end2:
_tile_overlayer_lowered:
.L_overlay_start_2:
0x14a: {  	(tag) =	ssettag $0x2  }
0x14b: {  	s0 =	rddreg [dreg:$0x0];
	s2 =	stileid.u32  }
0x14c: {  	s1 =	rddreg [dreg:$0x1];
	p0 =	sne.s32 s2, $0x0  }
0x14d: {  	s3 =	rddreg [dreg:$0x2];
	[bflag:$0x3] =	sbarrier.arrive $0xFFFF;
	s2 =	simm.s32 @!p0 $0x1C01  }
0x14e: {  	[timem:s3], [sflag:s2] =	dma.local @!p0 [hbm:s0], s1  }
0x14f: {  	s0 =	simm.s32 @!p0 $0x1  }
0x150: {  	_ =	swait.ge @!p0 [sflag:s0], s1  }
0x151: {  	s1 =	ssub.s32 @!p0 $0x0, s1;
	[sflag:s0] =	ssyncset.done @!p0 $0x0  }
0x152: {  	[sflag:s0] =	ssyncadd.s32 @!p0 s1  }
0x153: {  	[bflag:$0x3] =	sbarrier.arrive $0xFFFF  }
0x154: {  	_ =	shalt  }

</sc_bundles>
